<compile_context>
chip_gen: v7x
topology: tpu7x:2x2x1
jax: 0.10.2.dev20260603
libtpu: 0.0.44.dev20260713+nightly
codegen_flags: <defaults>
</compile_context>

<pallas_src>
import functools
import jax
import jax.numpy as jnp
from jax import lax
from jax.experimental import pallas as pl
from jax.experimental.pallas import tpu as pltpu
from jax.experimental.pallas import tpu_sc as plsc

F = 768
H = 64
E = 64
N = 2048
BT = 64
MAX_TILES = 96
TE_LEN = 128
PADDED = MAX_TILES * BT


def _router_body(x_ref, rs_ref, rl_ref, dst_ref, te_ref):
    xv = x_ref[...]
    var = jnp.mean(xv * xv, axis=1, keepdims=True)
    ri = xv * lax.rsqrt(var + 1e-6)
    ri = ri * lax.rsqrt(jnp.float32(F)) * rs_ref[...]
    logits = jnp.dot(ri, rl_ref[...], preferred_element_type=jnp.float32)
    lane = lax.broadcasted_iota(jnp.int32, logits.shape, 1)
    maxv = jnp.max(logits, axis=1, keepdims=True)
    eid = jnp.min(jnp.where(logits == maxv, lane, E), axis=1)
    onehot = (eid[:, None] == lane).astype(jnp.float32)
    CH = 128
    NC = N // CH
    row = lax.broadcasted_iota(jnp.int32, (CH, CH), 0)
    col = lax.broadcasted_iota(jnp.int32, (CH, CH), 1)
    ltri = (row >= col).astype(jnp.float32)
    chunk_cums = []
    chunk_tot = []
    for ci in range(NC):
        blk = onehot[ci * CH:(ci + 1) * CH, :]
        cc = lax.dot_general(ltri, blk, (((1,), (0,)), ((), ())),
                             preferred_element_type=jnp.float32)
        chunk_cums.append(cc)
        chunk_tot.append(cc[CH - 1:CH, :])
    tot = jnp.concatenate(chunk_tot, axis=0)
    inc = tot
    k = 1
    while k < NC:
        inc = inc + jnp.concatenate(
            [jnp.zeros((k, E), jnp.float32), inc[: NC - k]], axis=0)
        k *= 2
    excl = inc - tot
    c = jnp.concatenate(
        [chunk_cums[ci] + excl[ci:ci + 1, :] for ci in range(NC)], axis=0)
    c = c.astype(jnp.int32)
    onehot = onehot.astype(jnp.int32)
    counts = c[N - 1 : N, :]
    rank = jnp.sum(onehot * c, axis=1) - 1
    pc = ((counts + BT - 1) // BT) * BT
    pci = pc
    k = 1
    while k < E:
        pci = pci + jnp.concatenate(
            [jnp.zeros((1, k), jnp.int32), pci[:, : E - k]], axis=1)
        k *= 2
    po = pci - pc
    dst = jnp.sum(onehot * po, axis=1) + rank
    dst_ref[...] = dst.reshape(N // 128, 128)
    starts = lax.broadcasted_iota(jnp.int32, (TE_LEN, E), 0) * BT
    te = jnp.sum((pci <= starts).astype(jnp.int32), axis=1)
    te = jnp.minimum(te, E - 1).reshape(1, TE_LEN)
    total = jnp.sum(jnp.where(lane[:1, :] == E - 1, pci, 0))
    n_used = total // BT
    meta_idx = lax.broadcasted_iota(jnp.int32, (1, TE_LEN), 1)
    te_shift = jnp.concatenate([te[:, -1:], te[:, :-1]], axis=1)
    te_ref[...] = jnp.where(meta_idx == 0, n_used, te_shift)


TPS = 8


def _ffn_body(meta_ref, xs_ref, *refs):
    gw_refs = refs[:TPS]
    lin_refs = refs[TPS:2 * TPS]
    sc_ref = refs[2 * TPS]
    ys_ref = refs[2 * TPS + 1]
    ja = TPS * pl.program_id(0)
    n_used = meta_ref[0]

    @pl.when(ja < n_used)
    def _():
        lane = lax.broadcasted_iota(jnp.int32, (1, E), 1)
        hs = []
        for k in range(TPS):
            xb = xs_ref[k * BT:(k + 1) * BT, :].astype(jnp.bfloat16)
            hs.append(lax.dot_general(
                xb, gw_refs[k][0].astype(jnp.bfloat16),
                (((1,), (1,)), ((), ())),
                preferred_element_type=jnp.float32))
        acts = []
        for k in range(TPS):
            e = meta_ref[jnp.minimum(ja + k, n_used - 1) + 1]
            scale = jnp.sum(jnp.where(lane == e, sc_ref[...], 0.0))
            h = hs[k]
            acts.append(
                (jax.nn.gelu(h[:, :H], approximate=True) * h[:, H:] *
                 scale).astype(jnp.bfloat16))
        for k in range(TPS):
            ys_ref[k * BT:(k + 1) * BT, :] = lax.dot_general(
                acts[k], lin_refs[k][0].astype(jnp.bfloat16),
                (((1,), (0,)), ((), ())),
                preferred_element_type=jnp.float32)


def _route(x2, router_scale, router_logits):
    dst2, te2 = pl.pallas_call(
        _router_body,
        out_shape=[
            jax.ShapeDtypeStruct((N // 128, 128), jnp.int32),
            jax.ShapeDtypeStruct((1, TE_LEN), jnp.int32),
        ],
    )(x2, router_scale.reshape(1, F), router_logits)
    return dst2.reshape(N), te2.reshape(TE_LEN)


def _ffn(te, xs, gw, lin, scale):
    def _wk(k):
        return lambda j, m: (m[jnp.minimum(TPS * j + k, m[0] - 1) + 1], 0, 0)

    grid_spec = pltpu.PrefetchScalarGridSpec(
        num_scalar_prefetch=1,
        grid=(MAX_TILES // TPS,),
        in_specs=[
            pl.BlockSpec((TPS * BT, F),
                         lambda j, m: (jnp.minimum(j, (m[0] - 1) // TPS), 0)),
        ] + [
            pl.BlockSpec((1, 2 * H, F), _wk(k)) for k in range(TPS)
        ] + [
            pl.BlockSpec((1, H, F), _wk(k)) for k in range(TPS)
        ] + [
            pl.BlockSpec((1, E), lambda j, m: (0, 0)),
        ],
        out_specs=pl.BlockSpec((TPS * BT, F),
                               lambda j, m: (jnp.minimum(j, (m[0] - 1) // TPS),
                                             0)),
    )
    return pl.pallas_call(
        _ffn_body,
        grid_spec=grid_spec,
        out_shape=jax.ShapeDtypeStruct((PADDED, F), jnp.float32),
    )(te, xs, *([gw] * TPS), *([lin] * TPS), scale.reshape(1, E))


_NW = 32
_ROWS_W = N // _NW


@functools.lru_cache(maxsize=None)
def _sc_kernels():
    mesh = plsc.VectorSubcoreMesh(core_axis_name="c", subcore_axis_name="s")
    scratch = [
        pltpu.VMEM((_ROWS_W,), jnp.int32),
        pltpu.VMEM((_ROWS_W, F), jnp.float32),
        pltpu.SemaphoreType.DMA,
    ]

    @functools.partial(
        pl.kernel, mesh=mesh,
        out_type=jax.ShapeDtypeStruct((PADDED, F), jnp.float32),
        scratch_types=scratch,
    )
    def sc_scatter(x_hbm, dst_hbm, xs_hbm, idx_v, rows_v, sem):
        wid = lax.axis_index("s") * 2 + lax.axis_index("c")
        base = wid * _ROWS_W
        pltpu.sync_copy(x_hbm.at[pl.ds(base, _ROWS_W)], rows_v)
        pltpu.sync_copy(dst_hbm.at[pl.ds(base, _ROWS_W)], idx_v)
        pltpu.async_copy(rows_v, xs_hbm.at[idx_v], sem).wait()

    @functools.partial(
        pl.kernel, mesh=mesh,
        out_type=jax.ShapeDtypeStruct((N, F), jnp.float32),
        scratch_types=scratch,
    )
    def sc_gather(ys_hbm, dst_hbm, out_hbm, idx_v, rows_v, sem):
        wid = lax.axis_index("s") * 2 + lax.axis_index("c")
        base = wid * _ROWS_W
        pltpu.sync_copy(dst_hbm.at[pl.ds(base, _ROWS_W)], idx_v)
        pltpu.async_copy(ys_hbm.at[idx_v], rows_v, sem).wait()
        pltpu.sync_copy(rows_v, out_hbm.at[pl.ds(base, _ROWS_W)])

    return sc_scatter, sc_gather


def kernel(x, router_scale, router_logits, gating_einsum, linear,
           per_expert_scale):
    B, L, D = x.shape
    x2 = x.reshape(B * L, D)
    dst, te = _route(x2, router_scale, router_logits)
    sc_scatter, sc_gather = _sc_kernels()
    xs = sc_scatter(x2, dst)
    gw = gating_einsum.reshape(E, 2 * H, F)
    ys = _ffn(te, xs, gw, linear, per_expert_scale)
    out = sc_gather(ys, dst)
    return out.reshape(B, L, D)

# --- scband reference (transcript-rebuilt; emitter-appended) ---
"""Pipeline reference for scband-mo-e-7206955123114 (READ-ONLY COPY).

The authoritative reference and input builder live on the scoring server;
editing this copy changes nothing except your own understanding.
"""

import jax, jax.numpy as jnp
import numpy as np

FEATURES = 768
HIDDEN = 64
NUM_EXPERTS = 64
TOP_K = 1


def setup_inputs(seed: int = 0) -> dict:
    key = jax.random.key(seed)
    ks = jax.random.split(key, 4)
    x = jax.random.normal(ks[0], (1, 2048, FEATURES), dtype=jnp.float32)
    router_scale = jnp.ones((FEATURES,), dtype=jnp.float32)
    router_logits = jax.random.normal(ks[1], (FEATURES, NUM_EXPERTS), dtype=jnp.float32) * 0.02
    gating_einsum = jax.random.normal(ks[2], (NUM_EXPERTS, 2, HIDDEN, FEATURES), dtype=jnp.float32) * 0.02
    linear = jax.random.normal(ks[3], (NUM_EXPERTS, HIDDEN, FEATURES), dtype=jnp.float32) * 0.02
    per_expert_scale = jnp.ones((NUM_EXPERTS,), dtype=jnp.float32)
    return {"x": x, "router_scale": router_scale, "router_logits": router_logits,
            "gating_einsum": gating_einsum, "linear": linear,
            "per_expert_scale": per_expert_scale}


def _rms_norm_no_scale(x):
    x32 = x.astype(jnp.float32)
    variance = jnp.mean(jnp.square(x32), axis=-1, keepdims=True)
    return x32 * jax.lax.rsqrt(variance + 1e-06)


def reference(x, router_scale, router_logits, gating_einsum, linear, per_expert_scale):
    B, L, D = x.shape
    router_input = _rms_norm_no_scale(x)
    root_size = jax.lax.rsqrt(jnp.array(D, dtype=router_input.dtype))
    router_input = router_input * root_size * router_scale.astype(router_input.dtype)
    logits = jnp.dot(router_input, router_logits)
    logits_f32 = logits.astype(jnp.float32)
    probs = jax.nn.softmax(logits_f32, axis=-1)
    top_k_logits, top_k_indices = jax.lax.top_k(logits_f32, TOP_K)
    indicator = jax.nn.one_hot(top_k_indices, NUM_EXPERTS, dtype=probs.dtype)
    gate_weights = indicator.sum(axis=-2) * probs
    renorm = jnp.sum(gate_weights, axis=-1, keepdims=True)
    renorm = jnp.where(renorm > 0.0, renorm, 1.0)
    weights = probs / renorm
    top_k_weights = jnp.take_along_axis(weights, top_k_indices, axis=-1)
    output = jnp.zeros_like(x)
    for ki in range(TOP_K):
        expert_idx = top_k_indices[:, :, ki]
        expert_w = top_k_weights[:, :, ki]
        gate_params = gating_einsum[expert_idx]
        lin_params = linear[expert_idx]
        escale = per_expert_scale[expert_idx]
        gate_0 = jnp.einsum('bld,blhd->blh', x, gate_params[:, :, 0, :, :])
        gate_1 = jnp.einsum('bld,blhd->blh', x, gate_params[:, :, 1, :, :])
        activated = jax.nn.gelu(gate_0) * gate_1
        expert_out = jnp.einsum('blh,blhd->bld', activated, lin_params)
        expert_out = expert_out * escale[..., jnp.newaxis]
        expert_out = expert_out * expert_w[..., jnp.newaxis]
        output = output + expert_out
    return output

if __name__ == "__main__":
    import jax
    _d = setup_inputs()
    print(jax.jit(kernel)(*tuple(_d.values())))

</pallas_src>

<mosaic_0001>
#map = affine_map<(d0, d1) -> (0, 0)>
#map1 = affine_map<(d0, d1) -> (0)>
module attributes {stable_mosaic.version = 14 : i64} {
  func.func @sc_scatter(%arg0: i32, %arg1: i32, %arg2: memref<2048x768xf32, #tpu.memory_space<hbm>>, %arg3: memref<2048xi32, #tpu.memory_space<hbm>>, %arg4: memref<6144x768xf32, #tpu.memory_space<hbm>>, %arg5: memref<64xi32, #tpu.memory_space<vmem>>, %arg6: memref<64x768xf32, #tpu.memory_space<vmem>>, %arg7: memref<!tpu.dma_semaphore, #tpu.memory_space<semaphore_mem>>) attributes {dimension_semantics = [#tpu.dimension_semantics<core_parallel>, #tpu.dimension_semantics<subcore_parallel>], iteration_bounds = array<i64: 2, 16>, scalar_prefetch = 0 : i64, scratch_operands = 3 : i64, tpu.core_type = #tpu.core_type<sc_vector_subcore>, window_params = [{transform_indices = #map}, {transform_indices = #map1}, {transform_indices = #map}]} {
    %mul3A = arith.constant 2 : i32
    %mul3A_0 = arith.muli %arg1, %mul3A : i32
    %add3A = arith.addi %mul3A_0, %arg0 : i32
    %mul3A_1 = arith.constant 64 : i32
    %mul3A_2 = arith.muli %add3A, %mul3A_1 : i32
    "tpu.region"() ({
      %run_scoped3A = tpu.sem_alloc : memref<!tpu.dma_semaphore, #tpu.memory_space<semaphore_mem>>
      %dma_start3A_7 = arith.constant 0 : i32
      %dma_start3A_8 = tpu.memref_slice %arg2[%mul3A_2, %dma_start3A_7] : memref<2048x768xf32, #tpu.memory_space<hbm>> -> memref<64x768xf32, #tpu.memory_space<hbm>>
      %dma_start3A_9 = arith.constant 0 : i32
      %dma_start3A_10 = tpu.memref_slice %arg2[%mul3A_2, %dma_start3A_9] : memref<2048x768xf32, #tpu.memory_space<hbm>> -> memref<64x768xf32, #tpu.memory_space<hbm>>
      tpu.enqueue_dma source(%dma_start3A_10 : memref<64x768xf32, #tpu.memory_space<hbm>>) target(%arg6 : memref<64x768xf32, #tpu.memory_space<vmem>>) target_semaphore(%run_scoped3A : memref<!tpu.dma_semaphore, #tpu.memory_space<semaphore_mem>>)
      %dma_wait3A_11 = arith.constant 0 : i32
      %dma_wait3A_12 = tpu.memref_slice %arg2[%mul3A_2, %dma_wait3A_11] : memref<2048x768xf32, #tpu.memory_space<hbm>> -> memref<64x768xf32, #tpu.memory_space<hbm>>
      %dma_wait3A_13 = arith.constant 0 : i32
      %dma_wait3A_14 = tpu.memref_slice %arg2[%mul3A_2, %dma_wait3A_13] : memref<2048x768xf32, #tpu.memory_space<hbm>> -> memref<64x768xf32, #tpu.memory_space<hbm>>
      tpu.wait_dma2 semaphore(%run_scoped3A : memref<!tpu.dma_semaphore, #tpu.memory_space<semaphore_mem>>) src(%dma_wait3A_14 : memref<64x768xf32, #tpu.memory_space<hbm>>) dst(%arg6 : memref<64x768xf32, #tpu.memory_space<vmem>>)
      tpu.yield
    }) : () -> ()
    "tpu.region"() ({
      %run_scoped3A = tpu.sem_alloc : memref<!tpu.dma_semaphore, #tpu.memory_space<semaphore_mem>>
      %dma_start3A_7 = tpu.memref_slice %arg3[%mul3A_2] : memref<2048xi32, #tpu.memory_space<hbm>> -> memref<64xi32, #tpu.memory_space<hbm>>
      %dma_start3A_8 = tpu.memref_slice %arg3[%mul3A_2] : memref<2048xi32, #tpu.memory_space<hbm>> -> memref<64xi32, #tpu.memory_space<hbm>>
      tpu.enqueue_dma source(%dma_start3A_8 : memref<64xi32, #tpu.memory_space<hbm>>) target(%arg5 : memref<64xi32, #tpu.memory_space<vmem>>) target_semaphore(%run_scoped3A : memref<!tpu.dma_semaphore, #tpu.memory_space<semaphore_mem>>)
      %dma_wait3A_9 = tpu.memref_slice %arg3[%mul3A_2] : memref<2048xi32, #tpu.memory_space<hbm>> -> memref<64xi32, #tpu.memory_space<hbm>>
      %dma_wait3A_10 = tpu.memref_slice %arg3[%mul3A_2] : memref<2048xi32, #tpu.memory_space<hbm>> -> memref<64xi32, #tpu.memory_space<hbm>>
      tpu.wait_dma2 semaphore(%run_scoped3A : memref<!tpu.dma_semaphore, #tpu.memory_space<semaphore_mem>>) src(%dma_wait3A_10 : memref<64xi32, #tpu.memory_space<hbm>>) dst(%arg5 : memref<64xi32, #tpu.memory_space<vmem>>)
      tpu.yield
    }) : () -> ()
    %dma_start3A = arith.constant 0 : i32
    %dma_start3A_3 = arith.constant 0 : i32
    %dma_start3A_4 = tpu.memref_slice %arg4[%dma_start3A, %dma_start3A_3] : memref<6144x768xf32, #tpu.memory_space<hbm>> -> memref<6144x768xf32, #tpu.memory_space<hbm>>
    tpu.enqueue_indirect_dma source(%arg6 : memref<64x768xf32, #tpu.memory_space<vmem>>) target(%dma_start3A_4 : memref<6144x768xf32, #tpu.memory_space<hbm>>) offsets(%arg5 : memref<64xi32, #tpu.memory_space<vmem>>) semaphore(%arg7 : memref<!tpu.dma_semaphore, #tpu.memory_space<semaphore_mem>>)
    %dma_wait3A = arith.constant 0 : i32
    %dma_wait3A_5 = arith.constant 0 : i32
    %dma_wait3A_6 = tpu.memref_slice %arg4[%dma_wait3A, %dma_wait3A_5] : memref<6144x768xf32, #tpu.memory_space<hbm>> -> memref<6144x768xf32, #tpu.memory_space<hbm>>
    tpu.wait_indirect_dma semaphore(%arg7 : memref<!tpu.dma_semaphore, #tpu.memory_space<semaphore_mem>>) src(%arg6 : memref<64x768xf32, #tpu.memory_space<vmem>>) dst(%dma_wait3A_6 : memref<6144x768xf32, #tpu.memory_space<hbm>>)
    return
  }
}

#map = affine_map<(d0, d1) -> (0, 0)>
#map1 = affine_map<(d0, d1) -> (0)>
module attributes {stable_mosaic.version = 14 : i64} {
  func.func @sc_gather(%arg0: i32, %arg1: i32, %arg2: memref<6144x768xf32, #tpu.memory_space<hbm>>, %arg3: memref<2048xi32, #tpu.memory_space<hbm>>, %arg4: memref<2048x768xf32, #tpu.memory_space<hbm>>, %arg5: memref<64xi32, #tpu.memory_space<vmem>>, %arg6: memref<64x768xf32, #tpu.memory_space<vmem>>, %arg7: memref<!tpu.dma_semaphore, #tpu.memory_space<semaphore_mem>>) attributes {dimension_semantics = [#tpu.dimension_semantics<core_parallel>, #tpu.dimension_semantics<subcore_parallel>], iteration_bounds = array<i64: 2, 16>, scalar_prefetch = 0 : i64, scratch_operands = 3 : i64, tpu.core_type = #tpu.core_type<sc_vector_subcore>, window_params = [{transform_indices = #map}, {transform_indices = #map1}, {transform_indices = #map}]} {
    %mul3A = arith.constant 2 : i32
    %mul3A_0 = arith.muli %arg1, %mul3A : i32
    %add3A = arith.addi %mul3A_0, %arg0 : i32
    %mul3A_1 = arith.constant 64 : i32
    %mul3A_2 = arith.muli %add3A, %mul3A_1 : i32
    "tpu.region"() ({
      %run_scoped3A = tpu.sem_alloc : memref<!tpu.dma_semaphore, #tpu.memory_space<semaphore_mem>>
      %dma_start3A_7 = tpu.memref_slice %arg3[%mul3A_2] : memref<2048xi32, #tpu.memory_space<hbm>> -> memref<64xi32, #tpu.memory_space<hbm>>
      %dma_start3A_8 = tpu.memref_slice %arg3[%mul3A_2] : memref<2048xi32, #tpu.memory_space<hbm>> -> memref<64xi32, #tpu.memory_space<hbm>>
      tpu.enqueue_dma source(%dma_start3A_8 : memref<64xi32, #tpu.memory_space<hbm>>) target(%arg5 : memref<64xi32, #tpu.memory_space<vmem>>) target_semaphore(%run_scoped3A : memref<!tpu.dma_semaphore, #tpu.memory_space<semaphore_mem>>)
      %dma_wait3A_9 = tpu.memref_slice %arg3[%mul3A_2] : memref<2048xi32, #tpu.memory_space<hbm>> -> memref<64xi32, #tpu.memory_space<hbm>>
      %dma_wait3A_10 = tpu.memref_slice %arg3[%mul3A_2] : memref<2048xi32, #tpu.memory_space<hbm>> -> memref<64xi32, #tpu.memory_space<hbm>>
      tpu.wait_dma2 semaphore(%run_scoped3A : memref<!tpu.dma_semaphore, #tpu.memory_space<semaphore_mem>>) src(%dma_wait3A_10 : memref<64xi32, #tpu.memory_space<hbm>>) dst(%arg5 : memref<64xi32, #tpu.memory_space<vmem>>)
      tpu.yield
    }) : () -> ()
    %dma_start3A = arith.constant 0 : i32
    %dma_start3A_3 = arith.constant 0 : i32
    %dma_start3A_4 = tpu.memref_slice %arg2[%dma_start3A, %dma_start3A_3] : memref<6144x768xf32, #tpu.memory_space<hbm>> -> memref<6144x768xf32, #tpu.memory_space<hbm>>
    tpu.enqueue_indirect_dma source(%dma_start3A_4 : memref<6144x768xf32, #tpu.memory_space<hbm>>) target(%arg6 : memref<64x768xf32, #tpu.memory_space<vmem>>) offsets(%arg5 : memref<64xi32, #tpu.memory_space<vmem>>) semaphore(%arg7 : memref<!tpu.dma_semaphore, #tpu.memory_space<semaphore_mem>>)
    %dma_wait3A = arith.constant 0 : i32
    %dma_wait3A_5 = arith.constant 0 : i32
    %dma_wait3A_6 = tpu.memref_slice %arg2[%dma_wait3A, %dma_wait3A_5] : memref<6144x768xf32, #tpu.memory_space<hbm>> -> memref<6144x768xf32, #tpu.memory_space<hbm>>
    tpu.wait_indirect_dma semaphore(%arg7 : memref<!tpu.dma_semaphore, #tpu.memory_space<semaphore_mem>>) src(%dma_wait3A_6 : memref<6144x768xf32, #tpu.memory_space<hbm>>) dst(%arg6 : memref<64x768xf32, #tpu.memory_space<vmem>>)
    "tpu.region"() ({
      %run_scoped3A = tpu.sem_alloc : memref<!tpu.dma_semaphore, #tpu.memory_space<semaphore_mem>>
      %dma_start3A_7 = arith.constant 0 : i32
      %dma_start3A_8 = tpu.memref_slice %arg4[%mul3A_2, %dma_start3A_7] : memref<2048x768xf32, #tpu.memory_space<hbm>> -> memref<64x768xf32, #tpu.memory_space<hbm>>
      %dma_start3A_9 = arith.constant 0 : i32
      %dma_start3A_10 = tpu.memref_slice %arg4[%mul3A_2, %dma_start3A_9] : memref<2048x768xf32, #tpu.memory_space<hbm>> -> memref<64x768xf32, #tpu.memory_space<hbm>>
      tpu.enqueue_dma source(%arg6 : memref<64x768xf32, #tpu.memory_space<vmem>>) target(%dma_start3A_10 : memref<64x768xf32, #tpu.memory_space<hbm>>) target_semaphore(%run_scoped3A : memref<!tpu.dma_semaphore, #tpu.memory_space<semaphore_mem>>)
      %dma_wait3A_11 = arith.constant 0 : i32
      %dma_wait3A_12 = tpu.memref_slice %arg4[%mul3A_2, %dma_wait3A_11] : memref<2048x768xf32, #tpu.memory_space<hbm>> -> memref<64x768xf32, #tpu.memory_space<hbm>>
      %dma_wait3A_13 = arith.constant 0 : i32
      %dma_wait3A_14 = tpu.memref_slice %arg4[%mul3A_2, %dma_wait3A_13] : memref<2048x768xf32, #tpu.memory_space<hbm>> -> memref<64x768xf32, #tpu.memory_space<hbm>>
      tpu.wait_dma2 semaphore(%run_scoped3A : memref<!tpu.dma_semaphore, #tpu.memory_space<semaphore_mem>>) src(%arg6 : memref<64x768xf32, #tpu.memory_space<vmem>>) dst(%dma_wait3A_14 : memref<64x768xf32, #tpu.memory_space<hbm>>)
      tpu.yield
    }) : () -> ()
    return
  }
}

module attributes {stable_mosaic.version = 14 : i64} {
  func.func @_ffn_body(%arg0: i32, %arg1: memref<128xi32, #tpu.memory_space<smem>>, %arg2: memref<512x768xf32, #tpu.memory_space<vmem>>, %arg3: memref<1x128x768xf32, #tpu.memory_space<vmem>>, %arg4: memref<1x128x768xf32, #tpu.memory_space<vmem>>, %arg5: memref<1x128x768xf32, #tpu.memory_space<vmem>>, %arg6: memref<1x128x768xf32, #tpu.memory_space<vmem>>, %arg7: memref<1x128x768xf32, #tpu.memory_space<vmem>>, %arg8: memref<1x128x768xf32, #tpu.memory_space<vmem>>, %arg9: memref<1x128x768xf32, #tpu.memory_space<vmem>>, %arg10: memref<1x128x768xf32, #tpu.memory_space<vmem>>, %arg11: memref<1x64x768xf32, #tpu.memory_space<vmem>>, %arg12: memref<1x64x768xf32, #tpu.memory_space<vmem>>, %arg13: memref<1x64x768xf32, #tpu.memory_space<vmem>>, %arg14: memref<1x64x768xf32, #tpu.memory_space<vmem>>, %arg15: memref<1x64x768xf32, #tpu.memory_space<vmem>>, %arg16: memref<1x64x768xf32, #tpu.memory_space<vmem>>, %arg17: memref<1x64x768xf32, #tpu.memory_space<vmem>>, %arg18: memref<1x64x768xf32, #tpu.memory_space<vmem>>, %arg19: memref<1x64xf32, #tpu.memory_space<vmem>>, %arg20: memref<512x768xf32, #tpu.memory_space<vmem>>) attributes {dimension_semantics = [#tpu.dimension_semantics<arbitrary>], iteration_bounds = array<i64: 12>, scalar_prefetch = 1 : i64, scratch_operands = 0 : i64, tpu.core_type = #tpu.core_type<tc>, window_params = [{transform_indices = @transform_0, window_bounds = array<i64: 512, 768>}, {transform_indices = @transform_1, window_bounds = array<i64: 1, 128, 768>}, {transform_indices = @transform_2, window_bounds = array<i64: 1, 128, 768>}, {transform_indices = @transform_3, window_bounds = array<i64: 1, 128, 768>}, {transform_indices = @transform_4, window_bounds = array<i64: 1, 128, 768>}, {transform_indices = @transform_5, window_bounds = array<i64: 1, 128, 768>}, {transform_indices = @transform_6, window_bounds = array<i64: 1, 128, 768>}, {transform_indices = @transform_7, window_bounds = array<i64: 1, 128, 768>}, {transform_indices = @transform_8, window_bounds = array<i64: 1, 128, 768>}, {transform_indices = @transform_9, window_bounds = array<i64: 1, 64, 768>}, {transform_indices = @transform_10, window_bounds = array<i64: 1, 64, 768>}, {transform_indices = @transform_11, window_bounds = array<i64: 1, 64, 768>}, {transform_indices = @transform_12, window_bounds = array<i64: 1, 64, 768>}, {transform_indices = @transform_13, window_bounds = array<i64: 1, 64, 768>}, {transform_indices = @transform_14, window_bounds = array<i64: 1, 64, 768>}, {transform_indices = @transform_15, window_bounds = array<i64: 1, 64, 768>}, {transform_indices = @transform_16, window_bounds = array<i64: 1, 64, 768>}, {pipeline_mode = #tpu.pipeline_mode<synchronous>, transform_indices = @transform_17, window_bounds = array<i64: 1, 64>}, {transform_indices = @transform_18, window_bounds = array<i64: 512, 768>}]} {
    %mul3A = arith.constant 8 : i32
    %mul3A_0 = arith.muli %mul3A, %arg0 : i32
    %get3A = arith.constant 0 : index
    %get3A_1 = memref.load %arg1[%get3A] : memref<128xi32, #tpu.memory_space<smem>>
    %lt3A = arith.cmpi slt, %mul3A_0, %get3A_1 : i32
    %convert_element_type3A = arith.extui %lt3A : i1 to i32
    %cond3A = arith.constant 0 : i32
    %cond3A_2 = arith.cmpi ne, %convert_element_type3A, %cond3A : i32
    scf.if %cond3A_2 {
      %iota3A = tpu.iota {dimensions = array<i32: 1>} : vector<1x64xi32>
      %get3A_3 = arith.constant 0 : index
      %get3A_4 = arith.constant 0 : index
      %get3A_5 = vector.load %arg2[%get3A_3, %get3A_4] : memref<512x768xf32, #tpu.memory_space<vmem>>, vector<64x768xf32>
      %convert_element_type3A_6 = arith.truncf %get3A_5 : vector<64x768xf32> to vector<64x768xbf16>
      %get3A_7 = arith.constant 0 : index
      %get3A_8 = arith.constant 0 : index
      %get3A_9 = arith.constant 0 : index
      %get3A_10 = vector.load %arg3[%get3A_7, %get3A_8, %get3A_9] : memref<1x128x768xf32, #tpu.memory_space<vmem>>, vector<1x128x768xf32>
      %get3A_11 = vector.shape_cast %get3A_10 : vector<1x128x768xf32> to vector<128x768xf32>
      %convert_element_type3A_12 = arith.truncf %get3A_11 : vector<128x768xf32> to vector<128x768xbf16>
      %dot_general3A = arith.constant dense<0.000000e+00> : vector<64x128xf32>
      %dot_general3A_13 = tpu.matmul %convert_element_type3A_6, %convert_element_type3A_12, %dot_general3A {dimension_numbers = #tpu.dot_dimension_numbers<[1], [1], [0], [0], [0, 0, 1, 0], [], []>, transpose_lhs_hint = false} : vector<64x768xbf16>, vector<128x768xbf16>, vector<64x128xf32> -> vector<64x128xf32>
      %get3A_14 = arith.constant 64 : index
      %get3A_15 = arith.constant 0 : index
      %get3A_16 = vector.load %arg2[%get3A_14, %get3A_15] : memref<512x768xf32, #tpu.memory_space<vmem>>, vector<64x768xf32>
      %convert_element_type3A_17 = arith.truncf %get3A_16 : vector<64x768xf32> to vector<64x768xbf16>
      %get3A_18 = arith.constant 0 : index
      %get3A_19 = arith.constant 0 : index
      %get3A_20 = arith.constant 0 : index
      %get3A_21 = vector.load %arg4[%get3A_18, %get3A_19, %get3A_20] : memref<1x128x768xf32, #tpu.memory_space<vmem>>, vector<1x128x768xf32>
      %get3A_22 = vector.shape_cast %get3A_21 : vector<1x128x768xf32> to vector<128x768xf32>
      %convert_element_type3A_23 = arith.truncf %get3A_22 : vector<128x768xf32> to vector<128x768xbf16>
      %dot_general3A_24 = arith.constant dense<0.000000e+00> : vector<64x128xf32>
      %dot_general3A_25 = tpu.matmul %convert_element_type3A_17, %convert_element_type3A_23, %dot_general3A_24 {dimension_numbers = #tpu.dot_dimension_numbers<[1], [1], [0], [0], [0, 0, 1, 0], [], []>, transpose_lhs_hint = false} : vector<64x768xbf16>, vector<128x768xbf16>, vector<64x128xf32> -> vector<64x128xf32>
      %get3A_26 = arith.constant 128 : index
      %get3A_27 = arith.constant 0 : index
      %get3A_28 = vector.load %arg2[%get3A_26, %get3A_27] : memref<512x768xf32, #tpu.memory_space<vmem>>, vector<64x768xf32>
      %convert_element_type3A_29 = arith.truncf %get3A_28 : vector<64x768xf32> to vector<64x768xbf16>
      %get3A_30 = arith.constant 0 : index
      %get3A_31 = arith.constant 0 : index
      %get3A_32 = arith.constant 0 : index
      %get3A_33 = vector.load %arg5[%get3A_30, %get3A_31, %get3A_32] : memref<1x128x768xf32, #tpu.memory_space<vmem>>, vector<1x128x768xf32>
      %get3A_34 = vector.shape_cast %get3A_33 : vector<1x128x768xf32> to vector<128x768xf32>
      %convert_element_type3A_35 = arith.truncf %get3A_34 : vector<128x768xf32> to vector<128x768xbf16>
      %dot_general3A_36 = arith.constant dense<0.000000e+00> : vector<64x128xf32>
      %dot_general3A_37 = tpu.matmul %convert_element_type3A_29, %convert_element_type3A_35, %dot_general3A_36 {dimension_numbers = #tpu.dot_dimension_numbers<[1], [1], [0], [0], [0, 0, 1, 0], [], []>, transpose_lhs_hint = false} : vector<64x768xbf16>, vector<128x768xbf16>, vector<64x128xf32> -> vector<64x128xf32>
      %get3A_38 = arith.constant 192 : index
      %get3A_39 = arith.constant 0 : index
      %get3A_40 = vector.load %arg2[%get3A_38, %get3A_39] : memref<512x768xf32, #tpu.memory_space<vmem>>, vector<64x768xf32>
      %convert_element_type3A_41 = arith.truncf %get3A_40 : vector<64x768xf32> to vector<64x768xbf16>
      %get3A_42 = arith.constant 0 : index
      %get3A_43 = arith.constant 0 : index
      %get3A_44 = arith.constant 0 : index
      %get3A_45 = vector.load %arg6[%get3A_42, %get3A_43, %get3A_44] : memref<1x128x768xf32, #tpu.memory_space<vmem>>, vector<1x128x768xf32>
      %get3A_46 = vector.shape_cast %get3A_45 : vector<1x128x768xf32> to vector<128x768xf32>
      %convert_element_type3A_47 = arith.truncf %get3A_46 : vector<128x768xf32> to vector<128x768xbf16>
      %dot_general3A_48 = arith.constant dense<0.000000e+00> : vector<64x128xf32>
      %dot_general3A_49 = tpu.matmul %convert_element_type3A_41, %convert_element_type3A_47, %dot_general3A_48 {dimension_numbers = #tpu.dot_dimension_numbers<[1], [1], [0], [0], [0, 0, 1, 0], [], []>, transpose_lhs_hint = false} : vector<64x768xbf16>, vector<128x768xbf16>, vector<64x128xf32> -> vector<64x128xf32>
      %get3A_50 = arith.constant 256 : index
      %get3A_51 = arith.constant 0 : index
      %get3A_52 = vector.load %arg2[%get3A_50, %get3A_51] : memref<512x768xf32, #tpu.memory_space<vmem>>, vector<64x768xf32>
      %convert_element_type3A_53 = arith.truncf %get3A_52 : vector<64x768xf32> to vector<64x768xbf16>
      %get3A_54 = arith.constant 0 : index
      %get3A_55 = arith.constant 0 : index
      %get3A_56 = arith.constant 0 : index
      %get3A_57 = vector.load %arg7[%get3A_54, %get3A_55, %get3A_56] : memref<1x128x768xf32, #tpu.memory_space<vmem>>, vector<1x128x768xf32>
      %get3A_58 = vector.shape_cast %get3A_57 : vector<1x128x768xf32> to vector<128x768xf32>
      %convert_element_type3A_59 = arith.truncf %get3A_58 : vector<128x768xf32> to vector<128x768xbf16>
      %dot_general3A_60 = arith.constant dense<0.000000e+00> : vector<64x128xf32>
      %dot_general3A_61 = tpu.matmul %convert_element_type3A_53, %convert_element_type3A_59, %dot_general3A_60 {dimension_numbers = #tpu.dot_dimension_numbers<[1], [1], [0], [0], [0, 0, 1, 0], [], []>, transpose_lhs_hint = false} : vector<64x768xbf16>, vector<128x768xbf16>, vector<64x128xf32> -> vector<64x128xf32>
      %get3A_62 = arith.constant 320 : index
      %get3A_63 = arith.constant 0 : index
      %get3A_64 = vector.load %arg2[%get3A_62, %get3A_63] : memref<512x768xf32, #tpu.memory_space<vmem>>, vector<64x768xf32>
      %convert_element_type3A_65 = arith.truncf %get3A_64 : vector<64x768xf32> to vector<64x768xbf16>
      %get3A_66 = arith.constant 0 : index
      %get3A_67 = arith.constant 0 : index
      %get3A_68 = arith.constant 0 : index
      %get3A_69 = vector.load %arg8[%get3A_66, %get3A_67, %get3A_68] : memref<1x128x768xf32, #tpu.memory_space<vmem>>, vector<1x128x768xf32>
      %get3A_70 = vector.shape_cast %get3A_69 : vector<1x128x768xf32> to vector<128x768xf32>
      %convert_element_type3A_71 = arith.truncf %get3A_70 : vector<128x768xf32> to vector<128x768xbf16>
      %dot_general3A_72 = arith.constant dense<0.000000e+00> : vector<64x128xf32>
      %dot_general3A_73 = tpu.matmul %convert_element_type3A_65, %convert_element_type3A_71, %dot_general3A_72 {dimension_numbers = #tpu.dot_dimension_numbers<[1], [1], [0], [0], [0, 0, 1, 0], [], []>, transpose_lhs_hint = false} : vector<64x768xbf16>, vector<128x768xbf16>, vector<64x128xf32> -> vector<64x128xf32>
      %get3A_74 = arith.constant 384 : index
      %get3A_75 = arith.constant 0 : index
      %get3A_76 = vector.load %arg2[%get3A_74, %get3A_75] : memref<512x768xf32, #tpu.memory_space<vmem>>, vector<64x768xf32>
      %convert_element_type3A_77 = arith.truncf %get3A_76 : vector<64x768xf32> to vector<64x768xbf16>
      %get3A_78 = arith.constant 0 : index
      %get3A_79 = arith.constant 0 : index
      %get3A_80 = arith.constant 0 : index
      %get3A_81 = vector.load %arg9[%get3A_78, %get3A_79, %get3A_80] : memref<1x128x768xf32, #tpu.memory_space<vmem>>, vector<1x128x768xf32>
      %get3A_82 = vector.shape_cast %get3A_81 : vector<1x128x768xf32> to vector<128x768xf32>
      %convert_element_type3A_83 = arith.truncf %get3A_82 : vector<128x768xf32> to vector<128x768xbf16>
      %dot_general3A_84 = arith.constant dense<0.000000e+00> : vector<64x128xf32>
      %dot_general3A_85 = tpu.matmul %convert_element_type3A_77, %convert_element_type3A_83, %dot_general3A_84 {dimension_numbers = #tpu.dot_dimension_numbers<[1], [1], [0], [0], [0, 0, 1, 0], [], []>, transpose_lhs_hint = false} : vector<64x768xbf16>, vector<128x768xbf16>, vector<64x128xf32> -> vector<64x128xf32>
      %get3A_86 = arith.constant 448 : index
      %get3A_87 = arith.constant 0 : index
      %get3A_88 = vector.load %arg2[%get3A_86, %get3A_87] : memref<512x768xf32, #tpu.memory_space<vmem>>, vector<64x768xf32>
      %convert_element_type3A_89 = arith.truncf %get3A_88 : vector<64x768xf32> to vector<64x768xbf16>
      %get3A_90 = arith.constant 0 : index
      %get3A_91 = arith.constant 0 : index
      %get3A_92 = arith.constant 0 : index
      %get3A_93 = vector.load %arg10[%get3A_90, %get3A_91, %get3A_92] : memref<1x128x768xf32, #tpu.memory_space<vmem>>, vector<1x128x768xf32>
      %get3A_94 = vector.shape_cast %get3A_93 : vector<1x128x768xf32> to vector<128x768xf32>
      %convert_element_type3A_95 = arith.truncf %get3A_94 : vector<128x768xf32> to vector<128x768xbf16>
      %dot_general3A_96 = arith.constant dense<0.000000e+00> : vector<64x128xf32>
      %dot_general3A_97 = tpu.matmul %convert_element_type3A_89, %convert_element_type3A_95, %dot_general3A_96 {dimension_numbers = #tpu.dot_dimension_numbers<[1], [1], [0], [0], [0, 0, 1, 0], [], []>, transpose_lhs_hint = false} : vector<64x768xbf16>, vector<128x768xbf16>, vector<64x128xf32> -> vector<64x128xf32>
      %add3A = arith.constant 0 : i32
      %add3A_98 = arith.addi %mul3A_0, %add3A : i32
      %sub3A = arith.constant 1 : i32
      %sub3A_99 = arith.subi %get3A_1, %sub3A : i32
      %min3A = arith.minsi %add3A_98, %sub3A_99 : i32
      %add3A_100 = arith.constant 1 : i32
      %add3A_101 = arith.addi %min3A, %add3A_100 : i32
      %get3A_102 = arith.index_cast %add3A_101 : i32 to index
      %get3A_103 = memref.load %arg1[%get3A_102] : memref<128xi32, #tpu.memory_space<smem>>
      %eq3A = vector.broadcast %get3A_103 : i32 to vector<1x64xi32>
      %eq3A_104 = arith.cmpi eq, %iota3A, %eq3A : vector<1x64xi32>
      %get3A_105 = arith.constant 0 : index
      %get3A_106 = arith.constant 0 : index
      %get3A_107 = vector.load %arg19[%get3A_105, %get3A_106] : memref<1x64xf32, #tpu.memory_space<vmem>>, vector<1x64xf32>
      %jit3A = arith.constant 0.000000e+00 : f32
      %broadcast_in_dim3A = vector.broadcast %jit3A : f32 to vector<1x64xf32>
      %select_n3A = arith.select %eq3A_104, %get3A_107, %broadcast_in_dim3A : vector<1x64xi1>, vector<1x64xf32>
      %reduce_sum3A = vector.shape_cast %select_n3A : vector<1x64xf32> to vector<1x1x64xf32>
      %reduce_sum3A_108 = arith.constant dense<0.000000e+00> : vector<1xf32>
      %reduce_sum3A_109 = vector.multi_reduction <add>, %reduce_sum3A, %reduce_sum3A_108 [1, 2] : vector<1x1x64xf32> to vector<1xf32>
      %reduce_sum3A_110 = vector.shape_cast %reduce_sum3A_109 : vector<1xf32> to vector<1x1x1xf32>
      %reduce_sum3A_111 = vector.extract %reduce_sum3A_110[0, 0, 0] : f32 from vector<1x1x1xf32>
      %slice3A = vector.extract_strided_slice %dot_general3A_13 {offsets = [0, 0], sizes = [64, 64], strides = [1, 1]} : vector<64x128xf32> to vector<64x64xf32>
      %integer_pow3A = arith.mulf %slice3A, %slice3A : vector<64x64xf32>
      %integer_pow3A_112 = arith.mulf %slice3A, %integer_pow3A : vector<64x64xf32>
      %mul3A_113 = arith.constant 4.471500e-02 : f32
      %mul3A_114 = vector.broadcast %mul3A_113 : f32 to vector<64x64xf32>
      %mul3A_115 = arith.mulf %mul3A_114, %integer_pow3A_112 : vector<64x64xf32>
      %add3A_116 = arith.addf %slice3A, %mul3A_115 : vector<64x64xf32>
      %mul3A_117 = arith.constant 0.797884583 : f32
      %mul3A_118 = vector.broadcast %mul3A_117 : f32 to vector<64x64xf32>
      %mul3A_119 = arith.mulf %mul3A_118, %add3A_116 : vector<64x64xf32>
      %tanh3A = math.tanh %mul3A_119 : vector<64x64xf32>
      %add3A_120 = arith.constant 1.000000e+00 : f32
      %add3A_121 = vector.broadcast %add3A_120 : f32 to vector<64x64xf32>
      %add3A_122 = arith.addf %add3A_121, %tanh3A : vector<64x64xf32>
      %mul3A_123 = arith.constant 5.000000e-01 : f32
      %mul3A_124 = vector.broadcast %mul3A_123 : f32 to vector<64x64xf32>
      %mul3A_125 = arith.mulf %mul3A_124, %add3A_122 : vector<64x64xf32>
      %mul3A_126 = arith.mulf %slice3A, %mul3A_125 : vector<64x64xf32>
      %slice3A_127 = vector.extract_strided_slice %dot_general3A_13 {offsets = [0, 64], sizes = [64, 64], strides = [1, 1]} : vector<64x128xf32> to vector<64x64xf32>
      %mul3A_128 = arith.mulf %mul3A_126, %slice3A_127 : vector<64x64xf32>
      %mul3A_129 = vector.broadcast %reduce_sum3A_111 : f32 to vector<64x64xf32>
      %mul3A_130 = arith.mulf %mul3A_128, %mul3A_129 : vector<64x64xf32>
      %convert_element_type3A_131 = arith.truncf %mul3A_130 : vector<64x64xf32> to vector<64x64xbf16>
      %add3A_132 = arith.constant 1 : i32
      %add3A_133 = arith.addi %mul3A_0, %add3A_132 : i32
      %sub3A_134 = arith.constant 1 : i32
      %sub3A_135 = arith.subi %get3A_1, %sub3A_134 : i32
      %min3A_136 = arith.minsi %add3A_133, %sub3A_135 : i32
      %add3A_137 = arith.constant 1 : i32
      %add3A_138 = arith.addi %min3A_136, %add3A_137 : i32
      %get3A_139 = arith.index_cast %add3A_138 : i32 to index
      %get3A_140 = memref.load %arg1[%get3A_139] : memref<128xi32, #tpu.memory_space<smem>>
      %eq3A_141 = vector.broadcast %get3A_140 : i32 to vector<1x64xi32>
      %eq3A_142 = arith.cmpi eq, %iota3A, %eq3A_141 : vector<1x64xi32>
      %get3A_143 = arith.constant 0 : index
      %get3A_144 = arith.constant 0 : index
      %get3A_145 = vector.load %arg19[%get3A_143, %get3A_144] : memref<1x64xf32, #tpu.memory_space<vmem>>, vector<1x64xf32>
      %jit3A_146 = arith.constant 0.000000e+00 : f32
      %broadcast_in_dim3A_147 = vector.broadcast %jit3A_146 : f32 to vector<1x64xf32>
      %select_n3A_148 = arith.select %eq3A_142, %get3A_145, %broadcast_in_dim3A_147 : vector<1x64xi1>, vector<1x64xf32>
      %reduce_sum3A_149 = vector.shape_cast %select_n3A_148 : vector<1x64xf32> to vector<1x1x64xf32>
      %reduce_sum3A_150 = arith.constant dense<0.000000e+00> : vector<1xf32>
      %reduce_sum3A_151 = vector.multi_reduction <add>, %reduce_sum3A_149, %reduce_sum3A_150 [1, 2] : vector<1x1x64xf32> to vector<1xf32>
      %reduce_sum3A_152 = vector.shape_cast %reduce_sum3A_151 : vector<1xf32> to vector<1x1x1xf32>
      %reduce_sum3A_153 = vector.extract %reduce_sum3A_152[0, 0, 0] : f32 from vector<1x1x1xf32>
      %slice3A_154 = vector.extract_strided_slice %dot_general3A_25 {offsets = [0, 0], sizes = [64, 64], strides = [1, 1]} : vector<64x128xf32> to vector<64x64xf32>
      %integer_pow3A_155 = arith.mulf %slice3A_154, %slice3A_154 : vector<64x64xf32>
      %integer_pow3A_156 = arith.mulf %slice3A_154, %integer_pow3A_155 : vector<64x64xf32>
      %mul3A_157 = arith.constant 4.471500e-02 : f32
      %mul3A_158 = vector.broadcast %mul3A_157 : f32 to vector<64x64xf32>
      %mul3A_159 = arith.mulf %mul3A_158, %integer_pow3A_156 : vector<64x64xf32>
      %add3A_160 = arith.addf %slice3A_154, %mul3A_159 : vector<64x64xf32>
      %mul3A_161 = arith.constant 0.797884583 : f32
      %mul3A_162 = vector.broadcast %mul3A_161 : f32 to vector<64x64xf32>
      %mul3A_163 = arith.mulf %mul3A_162, %add3A_160 : vector<64x64xf32>
      %tanh3A_164 = math.tanh %mul3A_163 : vector<64x64xf32>
      %add3A_165 = arith.constant 1.000000e+00 : f32
      %add3A_166 = vector.broadcast %add3A_165 : f32 to vector<64x64xf32>
      %add3A_167 = arith.addf %add3A_166, %tanh3A_164 : vector<64x64xf32>
      %mul3A_168 = arith.constant 5.000000e-01 : f32
      %mul3A_169 = vector.broadcast %mul3A_168 : f32 to vector<64x64xf32>
      %mul3A_170 = arith.mulf %mul3A_169, %add3A_167 : vector<64x64xf32>
      %mul3A_171 = arith.mulf %slice3A_154, %mul3A_170 : vector<64x64xf32>
      %slice3A_172 = vector.extract_strided_slice %dot_general3A_25 {offsets = [0, 64], sizes = [64, 64], strides = [1, 1]} : vector<64x128xf32> to vector<64x64xf32>
      %mul3A_173 = arith.mulf %mul3A_171, %slice3A_172 : vector<64x64xf32>
      %mul3A_174 = vector.broadcast %reduce_sum3A_153 : f32 to vector<64x64xf32>
      %mul3A_175 = arith.mulf %mul3A_173, %mul3A_174 : vector<64x64xf32>
      %convert_element_type3A_176 = arith.truncf %mul3A_175 : vector<64x64xf32> to vector<64x64xbf16>
      %add3A_177 = arith.constant 2 : i32
      %add3A_178 = arith.addi %mul3A_0, %add3A_177 : i32
      %sub3A_179 = arith.constant 1 : i32
      %sub3A_180 = arith.subi %get3A_1, %sub3A_179 : i32
      %min3A_181 = arith.minsi %add3A_178, %sub3A_180 : i32
      %add3A_182 = arith.constant 1 : i32
      %add3A_183 = arith.addi %min3A_181, %add3A_182 : i32
      %get3A_184 = arith.index_cast %add3A_183 : i32 to index
      %get3A_185 = memref.load %arg1[%get3A_184] : memref<128xi32, #tpu.memory_space<smem>>
      %eq3A_186 = vector.broadcast %get3A_185 : i32 to vector<1x64xi32>
      %eq3A_187 = arith.cmpi eq, %iota3A, %eq3A_186 : vector<1x64xi32>
      %get3A_188 = arith.constant 0 : index
      %get3A_189 = arith.constant 0 : index
      %get3A_190 = vector.load %arg19[%get3A_188, %get3A_189] : memref<1x64xf32, #tpu.memory_space<vmem>>, vector<1x64xf32>
      %jit3A_191 = arith.constant 0.000000e+00 : f32
      %broadcast_in_dim3A_192 = vector.broadcast %jit3A_191 : f32 to vector<1x64xf32>
      %select_n3A_193 = arith.select %eq3A_187, %get3A_190, %broadcast_in_dim3A_192 : vector<1x64xi1>, vector<1x64xf32>
      %reduce_sum3A_194 = vector.shape_cast %select_n3A_193 : vector<1x64xf32> to vector<1x1x64xf32>
      %reduce_sum3A_195 = arith.constant dense<0.000000e+00> : vector<1xf32>
      %reduce_sum3A_196 = vector.multi_reduction <add>, %reduce_sum3A_194, %reduce_sum3A_195 [1, 2] : vector<1x1x64xf32> to vector<1xf32>
      %reduce_sum3A_197 = vector.shape_cast %reduce_sum3A_196 : vector<1xf32> to vector<1x1x1xf32>
      %reduce_sum3A_198 = vector.extract %reduce_sum3A_197[0, 0, 0] : f32 from vector<1x1x1xf32>
      %slice3A_199 = vector.extract_strided_slice %dot_general3A_37 {offsets = [0, 0], sizes = [64, 64], strides = [1, 1]} : vector<64x128xf32> to vector<64x64xf32>
      %integer_pow3A_200 = arith.mulf %slice3A_199, %slice3A_199 : vector<64x64xf32>
      %integer_pow3A_201 = arith.mulf %slice3A_199, %integer_pow3A_200 : vector<64x64xf32>
      %mul3A_202 = arith.constant 4.471500e-02 : f32
      %mul3A_203 = vector.broadcast %mul3A_202 : f32 to vector<64x64xf32>
      %mul3A_204 = arith.mulf %mul3A_203, %integer_pow3A_201 : vector<64x64xf32>
      %add3A_205 = arith.addf %slice3A_199, %mul3A_204 : vector<64x64xf32>
      %mul3A_206 = arith.constant 0.797884583 : f32
      %mul3A_207 = vector.broadcast %mul3A_206 : f32 to vector<64x64xf32>
      %mul3A_208 = arith.mulf %mul3A_207, %add3A_205 : vector<64x64xf32>
      %tanh3A_209 = math.tanh %mul3A_208 : vector<64x64xf32>
      %add3A_210 = arith.constant 1.000000e+00 : f32
      %add3A_211 = vector.broadcast %add3A_210 : f32 to vector<64x64xf32>
      %add3A_212 = arith.addf %add3A_211, %tanh3A_209 : vector<64x64xf32>
      %mul3A_213 = arith.constant 5.000000e-01 : f32
      %mul3A_214 = vector.broadcast %mul3A_213 : f32 to vector<64x64xf32>
      %mul3A_215 = arith.mulf %mul3A_214, %add3A_212 : vector<64x64xf32>
      %mul3A_216 = arith.mulf %slice3A_199, %mul3A_215 : vector<64x64xf32>
      %slice3A_217 = vector.extract_strided_slice %dot_general3A_37 {offsets = [0, 64], sizes = [64, 64], strides = [1, 1]} : vector<64x128xf32> to vector<64x64xf32>
      %mul3A_218 = arith.mulf %mul3A_216, %slice3A_217 : vector<64x64xf32>
      %mul3A_219 = vector.broadcast %reduce_sum3A_198 : f32 to vector<64x64xf32>
      %mul3A_220 = arith.mulf %mul3A_218, %mul3A_219 : vector<64x64xf32>
      %convert_element_type3A_221 = arith.truncf %mul3A_220 : vector<64x64xf32> to vector<64x64xbf16>
      %add3A_222 = arith.constant 3 : i32
      %add3A_223 = arith.addi %mul3A_0, %add3A_222 : i32
      %sub3A_224 = arith.constant 1 : i32
      %sub3A_225 = arith.subi %get3A_1, %sub3A_224 : i32
      %min3A_226 = arith.minsi %add3A_223, %sub3A_225 : i32
      %add3A_227 = arith.constant 1 : i32
      %add3A_228 = arith.addi %min3A_226, %add3A_227 : i32
      %get3A_229 = arith.index_cast %add3A_228 : i32 to index
      %get3A_230 = memref.load %arg1[%get3A_229] : memref<128xi32, #tpu.memory_space<smem>>
      %eq3A_231 = vector.broadcast %get3A_230 : i32 to vector<1x64xi32>
      %eq3A_232 = arith.cmpi eq, %iota3A, %eq3A_231 : vector<1x64xi32>
      %get3A_233 = arith.constant 0 : index
      %get3A_234 = arith.constant 0 : index
      %get3A_235 = vector.load %arg19[%get3A_233, %get3A_234] : memref<1x64xf32, #tpu.memory_space<vmem>>, vector<1x64xf32>
      %jit3A_236 = arith.constant 0.000000e+00 : f32
      %broadcast_in_dim3A_237 = vector.broadcast %jit3A_236 : f32 to vector<1x64xf32>
      %select_n3A_238 = arith.select %eq3A_232, %get3A_235, %broadcast_in_dim3A_237 : vector<1x64xi1>, vector<1x64xf32>
      %reduce_sum3A_239 = vector.shape_cast %select_n3A_238 : vector<1x64xf32> to vector<1x1x64xf32>
      %reduce_sum3A_240 = arith.constant dense<0.000000e+00> : vector<1xf32>
      %reduce_sum3A_241 = vector.multi_reduction <add>, %reduce_sum3A_239, %reduce_sum3A_240 [1, 2] : vector<1x1x64xf32> to vector<1xf32>
      %reduce_sum3A_242 = vector.shape_cast %reduce_sum3A_241 : vector<1xf32> to vector<1x1x1xf32>
      %reduce_sum3A_243 = vector.extract %reduce_sum3A_242[0, 0, 0] : f32 from vector<1x1x1xf32>
      %slice3A_244 = vector.extract_strided_slice %dot_general3A_49 {offsets = [0, 0], sizes = [64, 64], strides = [1, 1]} : vector<64x128xf32> to vector<64x64xf32>
      %integer_pow3A_245 = arith.mulf %slice3A_244, %slice3A_244 : vector<64x64xf32>
      %integer_pow3A_246 = arith.mulf %slice3A_244, %integer_pow3A_245 : vector<64x64xf32>
      %mul3A_247 = arith.constant 4.471500e-02 : f32
      %mul3A_248 = vector.broadcast %mul3A_247 : f32 to vector<64x64xf32>
      %mul3A_249 = arith.mulf %mul3A_248, %integer_pow3A_246 : vector<64x64xf32>
      %add3A_250 = arith.addf %slice3A_244, %mul3A_249 : vector<64x64xf32>
      %mul3A_251 = arith.constant 0.797884583 : f32
      %mul3A_252 = vector.broadcast %mul3A_251 : f32 to vector<64x64xf32>
      %mul3A_253 = arith.mulf %mul3A_252, %add3A_250 : vector<64x64xf32>
      %tanh3A_254 = math.tanh %mul3A_253 : vector<64x64xf32>
      %add3A_255 = arith.constant 1.000000e+00 : f32
      %add3A_256 = vector.broadcast %add3A_255 : f32 to vector<64x64xf32>
      %add3A_257 = arith.addf %add3A_256, %tanh3A_254 : vector<64x64xf32>
      %mul3A_258 = arith.constant 5.000000e-01 : f32
      %mul3A_259 = vector.broadcast %mul3A_258 : f32 to vector<64x64xf32>
      %mul3A_260 = arith.mulf %mul3A_259, %add3A_257 : vector<64x64xf32>
      %mul3A_261 = arith.mulf %slice3A_244, %mul3A_260 : vector<64x64xf32>
      %slice3A_262 = vector.extract_strided_slice %dot_general3A_49 {offsets = [0, 64], sizes = [64, 64], strides = [1, 1]} : vector<64x128xf32> to vector<64x64xf32>
      %mul3A_263 = arith.mulf %mul3A_261, %slice3A_262 : vector<64x64xf32>
      %mul3A_264 = vector.broadcast %reduce_sum3A_243 : f32 to vector<64x64xf32>
      %mul3A_265 = arith.mulf %mul3A_263, %mul3A_264 : vector<64x64xf32>
      %convert_element_type3A_266 = arith.truncf %mul3A_265 : vector<64x64xf32> to vector<64x64xbf16>
      %add3A_267 = arith.constant 4 : i32
      %add3A_268 = arith.addi %mul3A_0, %add3A_267 : i32
      %sub3A_269 = arith.constant 1 : i32
      %sub3A_270 = arith.subi %get3A_1, %sub3A_269 : i32
      %min3A_271 = arith.minsi %add3A_268, %sub3A_270 : i32
      %add3A_272 = arith.constant 1 : i32
      %add3A_273 = arith.addi %min3A_271, %add3A_272 : i32
      %get3A_274 = arith.index_cast %add3A_273 : i32 to index
      %get3A_275 = memref.load %arg1[%get3A_274] : memref<128xi32, #tpu.memory_space<smem>>
      %eq3A_276 = vector.broadcast %get3A_275 : i32 to vector<1x64xi32>
      %eq3A_277 = arith.cmpi eq, %iota3A, %eq3A_276 : vector<1x64xi32>
      %get3A_278 = arith.constant 0 : index
      %get3A_279 = arith.constant 0 : index
      %get3A_280 = vector.load %arg19[%get3A_278, %get3A_279] : memref<1x64xf32, #tpu.memory_space<vmem>>, vector<1x64xf32>
      %jit3A_281 = arith.constant 0.000000e+00 : f32
      %broadcast_in_dim3A_282 = vector.broadcast %jit3A_281 : f32 to vector<1x64xf32>
      %select_n3A_283 = arith.select %eq3A_277, %get3A_280, %broadcast_in_dim3A_282 : vector<1x64xi1>, vector<1x64xf32>
      %reduce_sum3A_284 = vector.shape_cast %select_n3A_283 : vector<1x64xf32> to vector<1x1x64xf32>
      %reduce_sum3A_285 = arith.constant dense<0.000000e+00> : vector<1xf32>
      %reduce_sum3A_286 = vector.multi_reduction <add>, %reduce_sum3A_284, %reduce_sum3A_285 [1, 2] : vector<1x1x64xf32> to vector<1xf32>
      %reduce_sum3A_287 = vector.shape_cast %reduce_sum3A_286 : vector<1xf32> to vector<1x1x1xf32>
      %reduce_sum3A_288 = vector.extract %reduce_sum3A_287[0, 0, 0] : f32 from vector<1x1x1xf32>
      %slice3A_289 = vector.extract_strided_slice %dot_general3A_61 {offsets = [0, 0], sizes = [64, 64], strides = [1, 1]} : vector<64x128xf32> to vector<64x64xf32>
      %integer_pow3A_290 = arith.mulf %slice3A_289, %slice3A_289 : vector<64x64xf32>
      %integer_pow3A_291 = arith.mulf %slice3A_289, %integer_pow3A_290 : vector<64x64xf32>
      %mul3A_292 = arith.constant 4.471500e-02 : f32
      %mul3A_293 = vector.broadcast %mul3A_292 : f32 to vector<64x64xf32>
      %mul3A_294 = arith.mulf %mul3A_293, %integer_pow3A_291 : vector<64x64xf32>
      %add3A_295 = arith.addf %slice3A_289, %mul3A_294 : vector<64x64xf32>
      %mul3A_296 = arith.constant 0.797884583 : f32
      %mul3A_297 = vector.broadcast %mul3A_296 : f32 to vector<64x64xf32>
      %mul3A_298 = arith.mulf %mul3A_297, %add3A_295 : vector<64x64xf32>
      %tanh3A_299 = math.tanh %mul3A_298 : vector<64x64xf32>
      %add3A_300 = arith.constant 1.000000e+00 : f32
      %add3A_301 = vector.broadcast %add3A_300 : f32 to vector<64x64xf32>
      %add3A_302 = arith.addf %add3A_301, %tanh3A_299 : vector<64x64xf32>
      %mul3A_303 = arith.constant 5.000000e-01 : f32
      %mul3A_304 = vector.broadcast %mul3A_303 : f32 to vector<64x64xf32>
      %mul3A_305 = arith.mulf %mul3A_304, %add3A_302 : vector<64x64xf32>
      %mul3A_306 = arith.mulf %slice3A_289, %mul3A_305 : vector<64x64xf32>
      %slice3A_307 = vector.extract_strided_slice %dot_general3A_61 {offsets = [0, 64], sizes = [64, 64], strides = [1, 1]} : vector<64x128xf32> to vector<64x64xf32>
      %mul3A_308 = arith.mulf %mul3A_306, %slice3A_307 : vector<64x64xf32>
      %mul3A_309 = vector.broadcast %reduce_sum3A_288 : f32 to vector<64x64xf32>
      %mul3A_310 = arith.mulf %mul3A_308, %mul3A_309 : vector<64x64xf32>
      %convert_element_type3A_311 = arith.truncf %mul3A_310 : vector<64x64xf32> to vector<64x64xbf16>
      %add3A_312 = arith.constant 5 : i32
      %add3A_313 = arith.addi %mul3A_0, %add3A_312 : i32
      %sub3A_314 = arith.constant 1 : i32
      %sub3A_315 = arith.subi %get3A_1, %sub3A_314 : i32
      %min3A_316 = arith.minsi %add3A_313, %sub3A_315 : i32
      %add3A_317 = arith.constant 1 : i32
      %add3A_318 = arith.addi %min3A_316, %add3A_317 : i32
      %get3A_319 = arith.index_cast %add3A_318 : i32 to index
      %get3A_320 = memref.load %arg1[%get3A_319] : memref<128xi32, #tpu.memory_space<smem>>
      %eq3A_321 = vector.broadcast %get3A_320 : i32 to vector<1x64xi32>
      %eq3A_322 = arith.cmpi eq, %iota3A, %eq3A_321 : vector<1x64xi32>
      %get3A_323 = arith.constant 0 : index
      %get3A_324 = arith.constant 0 : index
      %get3A_325 = vector.load %arg19[%get3A_323, %get3A_324] : memref<1x64xf32, #tpu.memory_space<vmem>>, vector<1x64xf32>
      %jit3A_326 = arith.constant 0.000000e+00 : f32
      %broadcast_in_dim3A_327 = vector.broadcast %jit3A_326 : f32 to vector<1x64xf32>
      %select_n3A_328 = arith.select %eq3A_322, %get3A_325, %broadcast_in_dim3A_327 : vector<1x64xi1>, vector<1x64xf32>
      %reduce_sum3A_329 = vector.shape_cast %select_n3A_328 : vector<1x64xf32> to vector<1x1x64xf32>
      %reduce_sum3A_330 = arith.constant dense<0.000000e+00> : vector<1xf32>
      %reduce_sum3A_331 = vector.multi_reduction <add>, %reduce_sum3A_329, %reduce_sum3A_330 [1, 2] : vector<1x1x64xf32> to vector<1xf32>
      %reduce_sum3A_332 = vector.shape_cast %reduce_sum3A_331 : vector<1xf32> to vector<1x1x1xf32>
      %reduce_sum3A_333 = vector.extract %reduce_sum3A_332[0, 0, 0] : f32 from vector<1x1x1xf32>
      %slice3A_334 = vector.extract_strided_slice %dot_general3A_73 {offsets = [0, 0], sizes = [64, 64], strides = [1, 1]} : vector<64x128xf32> to vector<64x64xf32>
      %integer_pow3A_335 = arith.mulf %slice3A_334, %slice3A_334 : vector<64x64xf32>
      %integer_pow3A_336 = arith.mulf %slice3A_334, %integer_pow3A_335 : vector<64x64xf32>
      %mul3A_337 = arith.constant 4.471500e-02 : f32
      %mul3A_338 = vector.broadcast %mul3A_337 : f32 to vector<64x64xf32>
      %mul3A_339 = arith.mulf %mul3A_338, %integer_pow3A_336 : vector<64x64xf32>
      %add3A_340 = arith.addf %slice3A_334, %mul3A_339 : vector<64x64xf32>
      %mul3A_341 = arith.constant 0.797884583 : f32
      %mul3A_342 = vector.broadcast %mul3A_341 : f32 to vector<64x64xf32>
      %mul3A_343 = arith.mulf %mul3A_342, %add3A_340 : vector<64x64xf32>
      %tanh3A_344 = math.tanh %mul3A_343 : vector<64x64xf32>
      %add3A_345 = arith.constant 1.000000e+00 : f32
      %add3A_346 = vector.broadcast %add3A_345 : f32 to vector<64x64xf32>
      %add3A_347 = arith.addf %add3A_346, %tanh3A_344 : vector<64x64xf32>
      %mul3A_348 = arith.constant 5.000000e-01 : f32
      %mul3A_349 = vector.broadcast %mul3A_348 : f32 to vector<64x64xf32>
      %mul3A_350 = arith.mulf %mul3A_349, %add3A_347 : vector<64x64xf32>
      %mul3A_351 = arith.mulf %slice3A_334, %mul3A_350 : vector<64x64xf32>
      %slice3A_352 = vector.extract_strided_slice %dot_general3A_73 {offsets = [0, 64], sizes = [64, 64], strides = [1, 1]} : vector<64x128xf32> to vector<64x64xf32>
      %mul3A_353 = arith.mulf %mul3A_351, %slice3A_352 : vector<64x64xf32>
      %mul3A_354 = vector.broadcast %reduce_sum3A_333 : f32 to vector<64x64xf32>
      %mul3A_355 = arith.mulf %mul3A_353, %mul3A_354 : vector<64x64xf32>
      %convert_element_type3A_356 = arith.truncf %mul3A_355 : vector<64x64xf32> to vector<64x64xbf16>
      %add3A_357 = arith.constant 6 : i32
      %add3A_358 = arith.addi %mul3A_0, %add3A_357 : i32
      %sub3A_359 = arith.constant 1 : i32
      %sub3A_360 = arith.subi %get3A_1, %sub3A_359 : i32
      %min3A_361 = arith.minsi %add3A_358, %sub3A_360 : i32
      %add3A_362 = arith.constant 1 : i32
      %add3A_363 = arith.addi %min3A_361, %add3A_362 : i32
      %get3A_364 = arith.index_cast %add3A_363 : i32 to index
      %get3A_365 = memref.load %arg1[%get3A_364] : memref<128xi32, #tpu.memory_space<smem>>
      %eq3A_366 = vector.broadcast %get3A_365 : i32 to vector<1x64xi32>
      %eq3A_367 = arith.cmpi eq, %iota3A, %eq3A_366 : vector<1x64xi32>
      %get3A_368 = arith.constant 0 : index
      %get3A_369 = arith.constant 0 : index
      %get3A_370 = vector.load %arg19[%get3A_368, %get3A_369] : memref<1x64xf32, #tpu.memory_space<vmem>>, vector<1x64xf32>
      %jit3A_371 = arith.constant 0.000000e+00 : f32
      %broadcast_in_dim3A_372 = vector.broadcast %jit3A_371 : f32 to vector<1x64xf32>
      %select_n3A_373 = arith.select %eq3A_367, %get3A_370, %broadcast_in_dim3A_372 : vector<1x64xi1>, vector<1x64xf32>
      %reduce_sum3A_374 = vector.shape_cast %select_n3A_373 : vector<1x64xf32> to vector<1x1x64xf32>
      %reduce_sum3A_375 = arith.constant dense<0.000000e+00> : vector<1xf32>
      %reduce_sum3A_376 = vector.multi_reduction <add>, %reduce_sum3A_374, %reduce_sum3A_375 [1, 2] : vector<1x1x64xf32> to vector<1xf32>
      %reduce_sum3A_377 = vector.shape_cast %reduce_sum3A_376 : vector<1xf32> to vector<1x1x1xf32>
      %reduce_sum3A_378 = vector.extract %reduce_sum3A_377[0, 0, 0] : f32 from vector<1x1x1xf32>
      %slice3A_379 = vector.extract_strided_slice %dot_general3A_85 {offsets = [0, 0], sizes = [64, 64], strides = [1, 1]} : vector<64x128xf32> to vector<64x64xf32>
      %integer_pow3A_380 = arith.mulf %slice3A_379, %slice3A_379 : vector<64x64xf32>
      %integer_pow3A_381 = arith.mulf %slice3A_379, %integer_pow3A_380 : vector<64x64xf32>
      %mul3A_382 = arith.constant 4.471500e-02 : f32
      %mul3A_383 = vector.broadcast %mul3A_382 : f32 to vector<64x64xf32>
      %mul3A_384 = arith.mulf %mul3A_383, %integer_pow3A_381 : vector<64x64xf32>
      %add3A_385 = arith.addf %slice3A_379, %mul3A_384 : vector<64x64xf32>
      %mul3A_386 = arith.constant 0.797884583 : f32
      %mul3A_387 = vector.broadcast %mul3A_386 : f32 to vector<64x64xf32>
      %mul3A_388 = arith.mulf %mul3A_387, %add3A_385 : vector<64x64xf32>
      %tanh3A_389 = math.tanh %mul3A_388 : vector<64x64xf32>
      %add3A_390 = arith.constant 1.000000e+00 : f32
      %add3A_391 = vector.broadcast %add3A_390 : f32 to vector<64x64xf32>
      %add3A_392 = arith.addf %add3A_391, %tanh3A_389 : vector<64x64xf32>
      %mul3A_393 = arith.constant 5.000000e-01 : f32
      %mul3A_394 = vector.broadcast %mul3A_393 : f32 to vector<64x64xf32>
      %mul3A_395 = arith.mulf %mul3A_394, %add3A_392 : vector<64x64xf32>
      %mul3A_396 = arith.mulf %slice3A_379, %mul3A_395 : vector<64x64xf32>
      %slice3A_397 = vector.extract_strided_slice %dot_general3A_85 {offsets = [0, 64], sizes = [64, 64], strides = [1, 1]} : vector<64x128xf32> to vector<64x64xf32>
      %mul3A_398 = arith.mulf %mul3A_396, %slice3A_397 : vector<64x64xf32>
      %mul3A_399 = vector.broadcast %reduce_sum3A_378 : f32 to vector<64x64xf32>
      %mul3A_400 = arith.mulf %mul3A_398, %mul3A_399 : vector<64x64xf32>
      %convert_element_type3A_401 = arith.truncf %mul3A_400 : vector<64x64xf32> to vector<64x64xbf16>
      %add3A_402 = arith.constant 7 : i32
      %add3A_403 = arith.addi %mul3A_0, %add3A_402 : i32
      %sub3A_404 = arith.constant 1 : i32
      %sub3A_405 = arith.subi %get3A_1, %sub3A_404 : i32
      %min3A_406 = arith.minsi %add3A_403, %sub3A_405 : i32
      %add3A_407 = arith.constant 1 : i32
      %add3A_408 = arith.addi %min3A_406, %add3A_407 : i32
      %get3A_409 = arith.index_cast %add3A_408 : i32 to index
      %get3A_410 = memref.load %arg1[%get3A_409] : memref<128xi32, #tpu.memory_space<smem>>
      %eq3A_411 = vector.broadcast %get3A_410 : i32 to vector<1x64xi32>
      %eq3A_412 = arith.cmpi eq, %iota3A, %eq3A_411 : vector<1x64xi32>
      %get3A_413 = arith.constant 0 : index
      %get3A_414 = arith.constant 0 : index
      %get3A_415 = vector.load %arg19[%get3A_413, %get3A_414] : memref<1x64xf32, #tpu.memory_space<vmem>>, vector<1x64xf32>
      %jit3A_416 = arith.constant 0.000000e+00 : f32
      %broadcast_in_dim3A_417 = vector.broadcast %jit3A_416 : f32 to vector<1x64xf32>
      %select_n3A_418 = arith.select %eq3A_412, %get3A_415, %broadcast_in_dim3A_417 : vector<1x64xi1>, vector<1x64xf32>
      %reduce_sum3A_419 = vector.shape_cast %select_n3A_418 : vector<1x64xf32> to vector<1x1x64xf32>
      %reduce_sum3A_420 = arith.constant dense<0.000000e+00> : vector<1xf32>
      %reduce_sum3A_421 = vector.multi_reduction <add>, %reduce_sum3A_419, %reduce_sum3A_420 [1, 2] : vector<1x1x64xf32> to vector<1xf32>
      %reduce_sum3A_422 = vector.shape_cast %reduce_sum3A_421 : vector<1xf32> to vector<1x1x1xf32>
      %reduce_sum3A_423 = vector.extract %reduce_sum3A_422[0, 0, 0] : f32 from vector<1x1x1xf32>
      %slice3A_424 = vector.extract_strided_slice %dot_general3A_97 {offsets = [0, 0], sizes = [64, 64], strides = [1, 1]} : vector<64x128xf32> to vector<64x64xf32>
      %integer_pow3A_425 = arith.mulf %slice3A_424, %slice3A_424 : vector<64x64xf32>
      %integer_pow3A_426 = arith.mulf %slice3A_424, %integer_pow3A_425 : vector<64x64xf32>
      %mul3A_427 = arith.constant 4.471500e-02 : f32
      %mul3A_428 = vector.broadcast %mul3A_427 : f32 to vector<64x64xf32>
      %mul3A_429 = arith.mulf %mul3A_428, %integer_pow3A_426 : vector<64x64xf32>
      %add3A_430 = arith.addf %slice3A_424, %mul3A_429 : vector<64x64xf32>
      %mul3A_431 = arith.constant 0.797884583 : f32
      %mul3A_432 = vector.broadcast %mul3A_431 : f32 to vector<64x64xf32>
      %mul3A_433 = arith.mulf %mul3A_432, %add3A_430 : vector<64x64xf32>
      %tanh3A_434 = math.tanh %mul3A_433 : vector<64x64xf32>
      %add3A_435 = arith.constant 1.000000e+00 : f32
      %add3A_436 = vector.broadcast %add3A_435 : f32 to vector<64x64xf32>
      %add3A_437 = arith.addf %add3A_436, %tanh3A_434 : vector<64x64xf32>
      %mul3A_438 = arith.constant 5.000000e-01 : f32
      %mul3A_439 = vector.broadcast %mul3A_438 : f32 to vector<64x64xf32>
      %mul3A_440 = arith.mulf %mul3A_439, %add3A_437 : vector<64x64xf32>
      %mul3A_441 = arith.mulf %slice3A_424, %mul3A_440 : vector<64x64xf32>
      %slice3A_442 = vector.extract_strided_slice %dot_general3A_97 {offsets = [0, 64], sizes = [64, 64], strides = [1, 1]} : vector<64x128xf32> to vector<64x64xf32>
      %mul3A_443 = arith.mulf %mul3A_441, %slice3A_442 : vector<64x64xf32>
      %mul3A_444 = vector.broadcast %reduce_sum3A_423 : f32 to vector<64x64xf32>
      %mul3A_445 = arith.mulf %mul3A_443, %mul3A_444 : vector<64x64xf32>
      %convert_element_type3A_446 = arith.truncf %mul3A_445 : vector<64x64xf32> to vector<64x64xbf16>
      %get3A_447 = arith.constant 0 : index
      %get3A_448 = arith.constant 0 : index
      %get3A_449 = arith.constant 0 : index
      %get3A_450 = vector.load %arg11[%get3A_447, %get3A_448, %get3A_449] : memref<1x64x768xf32, #tpu.memory_space<vmem>>, vector<1x64x768xf32>
      %get3A_451 = vector.shape_cast %get3A_450 : vector<1x64x768xf32> to vector<64x768xf32>
      %convert_element_type3A_452 = arith.truncf %get3A_451 : vector<64x768xf32> to vector<64x768xbf16>
      %dot_general3A_453 = arith.constant dense<0.000000e+00> : vector<64x768xf32>
      %dot_general3A_454 = tpu.matmul %convert_element_type3A_131, %convert_element_type3A_452, %dot_general3A_453 {dimension_numbers = #tpu.dot_dimension_numbers<[1], [0], [0], [1], [0, 0, 1, 1], [], []>, transpose_lhs_hint = false} : vector<64x64xbf16>, vector<64x768xbf16>, vector<64x768xf32> -> vector<64x768xf32>
      %swap3A = arith.constant 0 : index
      %swap3A_455 = arith.constant 0 : index
      %swap3A_456 = vector.load %arg20[%swap3A, %swap3A_455] : memref<512x768xf32, #tpu.memory_space<vmem>>, vector<64x768xf32>
      tpu.vector_store %arg20[%swap3A, %swap3A_455], %dot_general3A_454 {strides = array<i32>} : memref<512x768xf32, #tpu.memory_space<vmem>>, vector<64x768xf32>,
      %get3A_457 = arith.constant 0 : index
      %get3A_458 = arith.constant 0 : index
      %get3A_459 = arith.constant 0 : index
      %get3A_460 = vector.load %arg12[%get3A_457, %get3A_458, %get3A_459] : memref<1x64x768xf32, #tpu.memory_space<vmem>>, vector<1x64x768xf32>
      %get3A_461 = vector.shape_cast %get3A_460 : vector<1x64x768xf32> to vector<64x768xf32>
      %convert_element_type3A_462 = arith.truncf %get3A_461 : vector<64x768xf32> to vector<64x768xbf16>
      %dot_general3A_463 = arith.constant dense<0.000000e+00> : vector<64x768xf32>
      %dot_general3A_464 = tpu.matmul %convert_element_type3A_176, %convert_element_type3A_462, %dot_general3A_463 {dimension_numbers = #tpu.dot_dimension_numbers<[1], [0], [0], [1], [0, 0, 1, 1], [], []>, transpose_lhs_hint = false} : vector<64x64xbf16>, vector<64x768xbf16>, vector<64x768xf32> -> vector<64x768xf32>
      %swap3A_465 = arith.constant 64 : index
      %swap3A_466 = arith.constant 0 : index
      %swap3A_467 = vector.load %arg20[%swap3A_465, %swap3A_466] : memref<512x768xf32, #tpu.memory_space<vmem>>, vector<64x768xf32>
      tpu.vector_store %arg20[%swap3A_465, %swap3A_466], %dot_general3A_464 {strides = array<i32>} : memref<512x768xf32, #tpu.memory_space<vmem>>, vector<64x768xf32>,
      %get3A_468 = arith.constant 0 : index
      %get3A_469 = arith.constant 0 : index
      %get3A_470 = arith.constant 0 : index
      %get3A_471 = vector.load %arg13[%get3A_468, %get3A_469, %get3A_470] : memref<1x64x768xf32, #tpu.memory_space<vmem>>, vector<1x64x768xf32>
      %get3A_472 = vector.shape_cast %get3A_471 : vector<1x64x768xf32> to vector<64x768xf32>
      %convert_element_type3A_473 = arith.truncf %get3A_472 : vector<64x768xf32> to vector<64x768xbf16>
      %dot_general3A_474 = arith.constant dense<0.000000e+00> : vector<64x768xf32>
      %dot_general3A_475 = tpu.matmul %convert_element_type3A_221, %convert_element_type3A_473, %dot_general3A_474 {dimension_numbers = #tpu.dot_dimension_numbers<[1], [0], [0], [1], [0, 0, 1, 1], [], []>, transpose_lhs_hint = false} : vector<64x64xbf16>, vector<64x768xbf16>, vector<64x768xf32> -> vector<64x768xf32>
      %swap3A_476 = arith.constant 128 : index
      %swap3A_477 = arith.constant 0 : index
      %swap3A_478 = vector.load %arg20[%swap3A_476, %swap3A_477] : memref<512x768xf32, #tpu.memory_space<vmem>>, vector<64x768xf32>
      tpu.vector_store %arg20[%swap3A_476, %swap3A_477], %dot_general3A_475 {strides = array<i32>} : memref<512x768xf32, #tpu.memory_space<vmem>>, vector<64x768xf32>,
      %get3A_479 = arith.constant 0 : index
      %get3A_480 = arith.constant 0 : index
      %get3A_481 = arith.constant 0 : index
      %get3A_482 = vector.load %arg14[%get3A_479, %get3A_480, %get3A_481] : memref<1x64x768xf32, #tpu.memory_space<vmem>>, vector<1x64x768xf32>
      %get3A_483 = vector.shape_cast %get3A_482 : vector<1x64x768xf32> to vector<64x768xf32>
      %convert_element_type3A_484 = arith.truncf %get3A_483 : vector<64x768xf32> to vector<64x768xbf16>
      %dot_general3A_485 = arith.constant dense<0.000000e+00> : vector<64x768xf32>
      %dot_general3A_486 = tpu.matmul %convert_element_type3A_266, %convert_element_type3A_484, %dot_general3A_485 {dimension_numbers = #tpu.dot_dimension_numbers<[1], [0], [0], [1], [0, 0, 1, 1], [], []>, transpose_lhs_hint = false} : vector<64x64xbf16>, vector<64x768xbf16>, vector<64x768xf32> -> vector<64x768xf32>
      %swap3A_487 = arith.constant 192 : index
      %swap3A_488 = arith.constant 0 : index
      %swap3A_489 = vector.load %arg20[%swap3A_487, %swap3A_488] : memref<512x768xf32, #tpu.memory_space<vmem>>, vector<64x768xf32>
      tpu.vector_store %arg20[%swap3A_487, %swap3A_488], %dot_general3A_486 {strides = array<i32>} : memref<512x768xf32, #tpu.memory_space<vmem>>, vector<64x768xf32>,
      %get3A_490 = arith.constant 0 : index
      %get3A_491 = arith.constant 0 : index
      %get3A_492 = arith.constant 0 : index
      %get3A_493 = vector.load %arg15[%get3A_490, %get3A_491, %get3A_492] : memref<1x64x768xf32, #tpu.memory_space<vmem>>, vector<1x64x768xf32>
      %get3A_494 = vector.shape_cast %get3A_493 : vector<1x64x768xf32> to vector<64x768xf32>
      %convert_element_type3A_495 = arith.truncf %get3A_494 : vector<64x768xf32> to vector<64x768xbf16>
      %dot_general3A_496 = arith.constant dense<0.000000e+00> : vector<64x768xf32>
      %dot_general3A_497 = tpu.matmul %convert_element_type3A_311, %convert_element_type3A_495, %dot_general3A_496 {dimension_numbers = #tpu.dot_dimension_numbers<[1], [0], [0], [1], [0, 0, 1, 1], [], []>, transpose_lhs_hint = false} : vector<64x64xbf16>, vector<64x768xbf16>, vector<64x768xf32> -> vector<64x768xf32>
      %swap3A_498 = arith.constant 256 : index
      %swap3A_499 = arith.constant 0 : index
      %swap3A_500 = vector.load %arg20[%swap3A_498, %swap3A_499] : memref<512x768xf32, #tpu.memory_space<vmem>>, vector<64x768xf32>
      tpu.vector_store %arg20[%swap3A_498, %swap3A_499], %dot_general3A_497 {strides = array<i32>} : memref<512x768xf32, #tpu.memory_space<vmem>>, vector<64x768xf32>,
      %get3A_501 = arith.constant 0 : index
      %get3A_502 = arith.constant 0 : index
      %get3A_503 = arith.constant 0 : index
      %get3A_504 = vector.load %arg16[%get3A_501, %get3A_502, %get3A_503] : memref<1x64x768xf32, #tpu.memory_space<vmem>>, vector<1x64x768xf32>
      %get3A_505 = vector.shape_cast %get3A_504 : vector<1x64x768xf32> to vector<64x768xf32>
      %convert_element_type3A_506 = arith.truncf %get3A_505 : vector<64x768xf32> to vector<64x768xbf16>
      %dot_general3A_507 = arith.constant dense<0.000000e+00> : vector<64x768xf32>
      %dot_general3A_508 = tpu.matmul %convert_element_type3A_356, %convert_element_type3A_506, %dot_general3A_507 {dimension_numbers = #tpu.dot_dimension_numbers<[1], [0], [0], [1], [0, 0, 1, 1], [], []>, transpose_lhs_hint = false} : vector<64x64xbf16>, vector<64x768xbf16>, vector<64x768xf32> -> vector<64x768xf32>
      %swap3A_509 = arith.constant 320 : index
      %swap3A_510 = arith.constant 0 : index
      %swap3A_511 = vector.load %arg20[%swap3A_509, %swap3A_510] : memref<512x768xf32, #tpu.memory_space<vmem>>, vector<64x768xf32>
      tpu.vector_store %arg20[%swap3A_509, %swap3A_510], %dot_general3A_508 {strides = array<i32>} : memref<512x768xf32, #tpu.memory_space<vmem>>, vector<64x768xf32>,
      %get3A_512 = arith.constant 0 : index
      %get3A_513 = arith.constant 0 : index
      %get3A_514 = arith.constant 0 : index
      %get3A_515 = vector.load %arg17[%get3A_512, %get3A_513, %get3A_514] : memref<1x64x768xf32, #tpu.memory_space<vmem>>, vector<1x64x768xf32>
      %get3A_516 = vector.shape_cast %get3A_515 : vector<1x64x768xf32> to vector<64x768xf32>
      %convert_element_type3A_517 = arith.truncf %get3A_516 : vector<64x768xf32> to vector<64x768xbf16>
      %dot_general3A_518 = arith.constant dense<0.000000e+00> : vector<64x768xf32>
      %dot_general3A_519 = tpu.matmul %convert_element_type3A_401, %convert_element_type3A_517, %dot_general3A_518 {dimension_numbers = #tpu.dot_dimension_numbers<[1], [0], [0], [1], [0, 0, 1, 1], [], []>, transpose_lhs_hint = false} : vector<64x64xbf16>, vector<64x768xbf16>, vector<64x768xf32> -> vector<64x768xf32>
      %swap3A_520 = arith.constant 384 : index
      %swap3A_521 = arith.constant 0 : index
      %swap3A_522 = vector.load %arg20[%swap3A_520, %swap3A_521] : memref<512x768xf32, #tpu.memory_space<vmem>>, vector<64x768xf32>
      tpu.vector_store %arg20[%swap3A_520, %swap3A_521], %dot_general3A_519 {strides = array<i32>} : memref<512x768xf32, #tpu.memory_space<vmem>>, vector<64x768xf32>,
      %get3A_523 = arith.constant 0 : index
      %get3A_524 = arith.constant 0 : index
      %get3A_525 = arith.constant 0 : index
      %get3A_526 = vector.load %arg18[%get3A_523, %get3A_524, %get3A_525] : memref<1x64x768xf32, #tpu.memory_space<vmem>>, vector<1x64x768xf32>
      %get3A_527 = vector.shape_cast %get3A_526 : vector<1x64x768xf32> to vector<64x768xf32>
      %convert_element_type3A_528 = arith.truncf %get3A_527 : vector<64x768xf32> to vector<64x768xbf16>
      %dot_general3A_529 = arith.constant dense<0.000000e+00> : vector<64x768xf32>
      %dot_general3A_530 = tpu.matmul %convert_element_type3A_446, %convert_element_type3A_528, %dot_general3A_529 {dimension_numbers = #tpu.dot_dimension_numbers<[1], [0], [0], [1], [0, 0, 1, 1], [], []>, transpose_lhs_hint = false} : vector<64x64xbf16>, vector<64x768xbf16>, vector<64x768xf32> -> vector<64x768xf32>
      %swap3A_531 = arith.constant 448 : index
      %swap3A_532 = arith.constant 0 : index
      %swap3A_533 = vector.load %arg20[%swap3A_531, %swap3A_532] : memref<512x768xf32, #tpu.memory_space<vmem>>, vector<64x768xf32>
      tpu.vector_store %arg20[%swap3A_531, %swap3A_532], %dot_general3A_530 {strides = array<i32>} : memref<512x768xf32, #tpu.memory_space<vmem>>, vector<64x768xf32>,
    } else {
    }
    return
  }
  func.func @transform_0(%arg0: i32, %arg1: memref<128xi32, #tpu.memory_space<smem>>) -> (i32, i32) {
    %get3A = arith.constant 0 : index
    %get3A_0 = memref.load %arg1[%get3A] : memref<128xi32, #tpu.memory_space<smem>>
    %sub3A = arith.constant 1 : i32
    %sub3A_1 = arith.subi %get3A_0, %sub3A : i32
    %jit3A = arith.constant 8 : i32
    %div3A = arith.divsi %sub3A_1, %jit3A : i32
    %sign3A = arith.constant 0 : i32
    %sign3A_2 = arith.cmpi sgt, %sub3A_1, %sign3A : i32
    %sign3A_3 = arith.extui %sign3A_2 : i1 to i32
    %sign3A_4 = arith.constant 0 : i32
    %sign3A_5 = arith.cmpi slt, %sub3A_1, %sign3A_4 : i32
    %sign3A_6 = arith.extui %sign3A_5 : i1 to i32
    %sign3A_7 = arith.subi %sign3A_3, %sign3A_6 : i32
    %sign3A_8 = arith.constant 0 : i32
    %sign3A_9 = arith.cmpi sgt, %jit3A, %sign3A_8 : i32
    %sign3A_10 = arith.extui %sign3A_9 : i1 to i32
    %sign3A_11 = arith.constant 0 : i32
    %sign3A_12 = arith.cmpi slt, %jit3A, %sign3A_11 : i32
    %sign3A_13 = arith.extui %sign3A_12 : i1 to i32
    %sign3A_14 = arith.subi %sign3A_10, %sign3A_13 : i32
    %ne3A = arith.cmpi ne, %sign3A_7, %sign3A_14 : i32
    %rem3A = arith.remsi %sub3A_1, %jit3A : i32
    %ne3A_15 = arith.constant 0 : i32
    %ne3A_16 = arith.cmpi ne, %rem3A, %ne3A_15 : i32
    %and3A = arith.andi %ne3A, %ne3A_16 : i1
    %sub3A_17 = arith.constant 1 : i32
    %sub3A_18 = arith.subi %div3A, %sub3A_17 : i32
    %select_n3A = arith.select %and3A, %sub3A_18, %div3A : i32
    %min3A = arith.minsi %arg0, %select_n3A : i32
    %c0_i32 = arith.constant 0 : i32
    %c0_i32_19 = arith.constant 0 : i32
    return %min3A, %c0_i32 : i32, i32
  }
  func.func @transform_1(%arg0: i32, %arg1: memref<128xi32, #tpu.memory_space<smem>>) -> (i32, i32, i32) {
    %mul3A = arith.constant 8 : i32
    %mul3A_0 = arith.muli %mul3A, %arg0 : i32
    %add3A = arith.constant 0 : i32
    %add3A_1 = arith.addi %mul3A_0, %add3A : i32
    %get3A = arith.constant 0 : index
    %get3A_2 = memref.load %arg1[%get3A] : memref<128xi32, #tpu.memory_space<smem>>
    %sub3A = arith.constant 1 : i32
    %sub3A_3 = arith.subi %get3A_2, %sub3A : i32
    %min3A = arith.minsi %add3A_1, %sub3A_3 : i32
    %add3A_4 = arith.constant 1 : i32
    %add3A_5 = arith.addi %min3A, %add3A_4 : i32
    %get3A_6 = arith.index_cast %add3A_5 : i32 to index
    %get3A_7 = memref.load %arg1[%get3A_6] : memref<128xi32, #tpu.memory_space<smem>>
    %c0_i32 = arith.constant 0 : i32
    %c0_i32_8 = arith.constant 0 : i32
    %c0_i32_9 = arith.constant 0 : i32
    return %get3A_7, %c0_i32, %c0_i32_8 : i32, i32, i32
  }
  func.func @transform_2(%arg0: i32, %arg1: memref<128xi32, #tpu.memory_space<smem>>) -> (i32, i32, i32) {
    %mul3A = arith.constant 8 : i32
    %mul3A_0 = arith.muli %mul3A, %arg0 : i32
    %add3A = arith.constant 1 : i32
    %add3A_1 = arith.addi %mul3A_0, %add3A : i32
    %get3A = arith.constant 0 : index
    %get3A_2 = memref.load %arg1[%get3A] : memref<128xi32, #tpu.memory_space<smem>>
    %sub3A = arith.constant 1 : i32
    %sub3A_3 = arith.subi %get3A_2, %sub3A : i32
    %min3A = arith.minsi %add3A_1, %sub3A_3 : i32
    %add3A_4 = arith.constant 1 : i32
    %add3A_5 = arith.addi %min3A, %add3A_4 : i32
    %get3A_6 = arith.index_cast %add3A_5 : i32 to index
    %get3A_7 = memref.load %arg1[%get3A_6] : memref<128xi32, #tpu.memory_space<smem>>
    %c0_i32 = arith.constant 0 : i32
    %c0_i32_8 = arith.constant 0 : i32
    %c0_i32_9 = arith.constant 0 : i32
    return %get3A_7, %c0_i32, %c0_i32_8 : i32, i32, i32
  }
  func.func @transform_3(%arg0: i32, %arg1: memref<128xi32, #tpu.memory_space<smem>>) -> (i32, i32, i32) {
    %mul3A = arith.constant 8 : i32
    %mul3A_0 = arith.muli %mul3A, %arg0 : i32
    %add3A = arith.constant 2 : i32
    %add3A_1 = arith.addi %mul3A_0, %add3A : i32
    %get3A = arith.constant 0 : index
    %get3A_2 = memref.load %arg1[%get3A] : memref<128xi32, #tpu.memory_space<smem>>
    %sub3A = arith.constant 1 : i32
    %sub3A_3 = arith.subi %get3A_2, %sub3A : i32
    %min3A = arith.minsi %add3A_1, %sub3A_3 : i32
    %add3A_4 = arith.constant 1 : i32
    %add3A_5 = arith.addi %min3A, %add3A_4 : i32
    %get3A_6 = arith.index_cast %add3A_5 : i32 to index
    %get3A_7 = memref.load %arg1[%get3A_6] : memref<128xi32, #tpu.memory_space<smem>>
    %c0_i32 = arith.constant 0 : i32
    %c0_i32_8 = arith.constant 0 : i32
    %c0_i32_9 = arith.constant 0 : i32
    return %get3A_7, %c0_i32, %c0_i32_8 : i32, i32, i32
  }
  func.func @transform_4(%arg0: i32, %arg1: memref<128xi32, #tpu.memory_space<smem>>) -> (i32, i32, i32) {
    %mul3A = arith.constant 8 : i32
    %mul3A_0 = arith.muli %mul3A, %arg0 : i32
    %add3A = arith.constant 3 : i32
    %add3A_1 = arith.addi %mul3A_0, %add3A : i32
    %get3A = arith.constant 0 : index
    %get3A_2 = memref.load %arg1[%get3A] : memref<128xi32, #tpu.memory_space<smem>>
    %sub3A = arith.constant 1 : i32
    %sub3A_3 = arith.subi %get3A_2, %sub3A : i32
    %min3A = arith.minsi %add3A_1, %sub3A_3 : i32
    %add3A_4 = arith.constant 1 : i32
    %add3A_5 = arith.addi %min3A, %add3A_4 : i32
    %get3A_6 = arith.index_cast %add3A_5 : i32 to index
    %get3A_7 = memref.load %arg1[%get3A_6] : memref<128xi32, #tpu.memory_space<smem>>
    %c0_i32 = arith.constant 0 : i32
    %c0_i32_8 = arith.constant 0 : i32
    %c0_i32_9 = arith.constant 0 : i32
    return %get3A_7, %c0_i32, %c0_i32_8 : i32, i32, i32
  }
  func.func @transform_5(%arg0: i32, %arg1: memref<128xi32, #tpu.memory_space<smem>>) -> (i32, i32, i32) {
    %mul3A = arith.constant 8 : i32
    %mul3A_0 = arith.muli %mul3A, %arg0 : i32
    %add3A = arith.constant 4 : i32
    %add3A_1 = arith.addi %mul3A_0, %add3A : i32
    %get3A = arith.constant 0 : index
    %get3A_2 = memref.load %arg1[%get3A] : memref<128xi32, #tpu.memory_space<smem>>
    %sub3A = arith.constant 1 : i32
    %sub3A_3 = arith.subi %get3A_2, %sub3A : i32
    %min3A = arith.minsi %add3A_1, %sub3A_3 : i32
    %add3A_4 = arith.constant 1 : i32
    %add3A_5 = arith.addi %min3A, %add3A_4 : i32
    %get3A_6 = arith.index_cast %add3A_5 : i32 to index
    %get3A_7 = memref.load %arg1[%get3A_6] : memref<128xi32, #tpu.memory_space<smem>>
    %c0_i32 = arith.constant 0 : i32
    %c0_i32_8 = arith.constant 0 : i32
    %c0_i32_9 = arith.constant 0 : i32
    return %get3A_7, %c0_i32, %c0_i32_8 : i32, i32, i32
  }
  func.func @transform_6(%arg0: i32, %arg1: memref<128xi32, #tpu.memory_space<smem>>) -> (i32, i32, i32) {
    %mul3A = arith.constant 8 : i32
    %mul3A_0 = arith.muli %mul3A, %arg0 : i32
    %add3A = arith.constant 5 : i32
    %add3A_1 = arith.addi %mul3A_0, %add3A : i32
    %get3A = arith.constant 0 : index
    %get3A_2 = memref.load %arg1[%get3A] : memref<128xi32, #tpu.memory_space<smem>>
    %sub3A = arith.constant 1 : i32
    %sub3A_3 = arith.subi %get3A_2, %sub3A : i32
    %min3A = arith.minsi %add3A_1, %sub3A_3 : i32
    %add3A_4 = arith.constant 1 : i32
    %add3A_5 = arith.addi %min3A, %add3A_4 : i32
    %get3A_6 = arith.index_cast %add3A_5 : i32 to index
    %get3A_7 = memref.load %arg1[%get3A_6] : memref<128xi32, #tpu.memory_space<smem>>
    %c0_i32 = arith.constant 0 : i32
    %c0_i32_8 = arith.constant 0 : i32
    %c0_i32_9 = arith.constant 0 : i32
    return %get3A_7, %c0_i32, %c0_i32_8 : i32, i32, i32
  }
  func.func @transform_7(%arg0: i32, %arg1: memref<128xi32, #tpu.memory_space<smem>>) -> (i32, i32, i32) {
    %mul3A = arith.constant 8 : i32
    %mul3A_0 = arith.muli %mul3A, %arg0 : i32
    %add3A = arith.constant 6 : i32
    %add3A_1 = arith.addi %mul3A_0, %add3A : i32
    %get3A = arith.constant 0 : index
    %get3A_2 = memref.load %arg1[%get3A] : memref<128xi32, #tpu.memory_space<smem>>
    %sub3A = arith.constant 1 : i32
    %sub3A_3 = arith.subi %get3A_2, %sub3A : i32
    %min3A = arith.minsi %add3A_1, %sub3A_3 : i32
    %add3A_4 = arith.constant 1 : i32
    %add3A_5 = arith.addi %min3A, %add3A_4 : i32
    %get3A_6 = arith.index_cast %add3A_5 : i32 to index
    %get3A_7 = memref.load %arg1[%get3A_6] : memref<128xi32, #tpu.memory_space<smem>>
    %c0_i32 = arith.constant 0 : i32
    %c0_i32_8 = arith.constant 0 : i32
    %c0_i32_9 = arith.constant 0 : i32
    return %get3A_7, %c0_i32, %c0_i32_8 : i32, i32, i32
  }
  func.func @transform_8(%arg0: i32, %arg1: memref<128xi32, #tpu.memory_space<smem>>) -> (i32, i32, i32) {
    %mul3A = arith.constant 8 : i32
    %mul3A_0 = arith.muli %mul3A, %arg0 : i32
    %add3A = arith.constant 7 : i32
    %add3A_1 = arith.addi %mul3A_0, %add3A : i32
    %get3A = arith.constant 0 : index
    %get3A_2 = memref.load %arg1[%get3A] : memref<128xi32, #tpu.memory_space<smem>>
    %sub3A = arith.constant 1 : i32
    %sub3A_3 = arith.subi %get3A_2, %sub3A : i32
    %min3A = arith.minsi %add3A_1, %sub3A_3 : i32
    %add3A_4 = arith.constant 1 : i32
    %add3A_5 = arith.addi %min3A, %add3A_4 : i32
    %get3A_6 = arith.index_cast %add3A_5 : i32 to index
    %get3A_7 = memref.load %arg1[%get3A_6] : memref<128xi32, #tpu.memory_space<smem>>
    %c0_i32 = arith.constant 0 : i32
    %c0_i32_8 = arith.constant 0 : i32
    %c0_i32_9 = arith.constant 0 : i32
    return %get3A_7, %c0_i32, %c0_i32_8 : i32, i32, i32
  }
  func.func @transform_9(%arg0: i32, %arg1: memref<128xi32, #tpu.memory_space<smem>>) -> (i32, i32, i32) {
    %mul3A = arith.constant 8 : i32
    %mul3A_0 = arith.muli %mul3A, %arg0 : i32
    %add3A = arith.constant 0 : i32
    %add3A_1 = arith.addi %mul3A_0, %add3A : i32
    %get3A = arith.constant 0 : index
    %get3A_2 = memref.load %arg1[%get3A] : memref<128xi32, #tpu.memory_space<smem>>
    %sub3A = arith.constant 1 : i32
    %sub3A_3 = arith.subi %get3A_2, %sub3A : i32
    %min3A = arith.minsi %add3A_1, %sub3A_3 : i32
    %add3A_4 = arith.constant 1 : i32
    %add3A_5 = arith.addi %min3A, %add3A_4 : i32
    %get3A_6 = arith.index_cast %add3A_5 : i32 to index
    %get3A_7 = memref.load %arg1[%get3A_6] : memref<128xi32, #tpu.memory_space<smem>>
    %c0_i32 = arith.constant 0 : i32
    %c0_i32_8 = arith.constant 0 : i32
    %c0_i32_9 = arith.constant 0 : i32
    return %get3A_7, %c0_i32, %c0_i32_8 : i32, i32, i32
  }
  func.func @transform_10(%arg0: i32, %arg1: memref<128xi32, #tpu.memory_space<smem>>) -> (i32, i32, i32) {
    %mul3A = arith.constant 8 : i32
    %mul3A_0 = arith.muli %mul3A, %arg0 : i32
    %add3A = arith.constant 1 : i32
    %add3A_1 = arith.addi %mul3A_0, %add3A : i32
    %get3A = arith.constant 0 : index
    %get3A_2 = memref.load %arg1[%get3A] : memref<128xi32, #tpu.memory_space<smem>>
    %sub3A = arith.constant 1 : i32
    %sub3A_3 = arith.subi %get3A_2, %sub3A : i32
    %min3A = arith.minsi %add3A_1, %sub3A_3 : i32
    %add3A_4 = arith.constant 1 : i32
    %add3A_5 = arith.addi %min3A, %add3A_4 : i32
    %get3A_6 = arith.index_cast %add3A_5 : i32 to index
    %get3A_7 = memref.load %arg1[%get3A_6] : memref<128xi32, #tpu.memory_space<smem>>
    %c0_i32 = arith.constant 0 : i32
    %c0_i32_8 = arith.constant 0 : i32
    %c0_i32_9 = arith.constant 0 : i32
    return %get3A_7, %c0_i32, %c0_i32_8 : i32, i32, i32
  }
  func.func @transform_11(%arg0: i32, %arg1: memref<128xi32, #tpu.memory_space<smem>>) -> (i32, i32, i32) {
    %mul3A = arith.constant 8 : i32
    %mul3A_0 = arith.muli %mul3A, %arg0 : i32
    %add3A = arith.constant 2 : i32
    %add3A_1 = arith.addi %mul3A_0, %add3A : i32
    %get3A = arith.constant 0 : index
    %get3A_2 = memref.load %arg1[%get3A] : memref<128xi32, #tpu.memory_space<smem>>
    %sub3A = arith.constant 1 : i32
    %sub3A_3 = arith.subi %get3A_2, %sub3A : i32
    %min3A = arith.minsi %add3A_1, %sub3A_3 : i32
    %add3A_4 = arith.constant 1 : i32
    %add3A_5 = arith.addi %min3A, %add3A_4 : i32
    %get3A_6 = arith.index_cast %add3A_5 : i32 to index
    %get3A_7 = memref.load %arg1[%get3A_6] : memref<128xi32, #tpu.memory_space<smem>>
    %c0_i32 = arith.constant 0 : i32
    %c0_i32_8 = arith.constant 0 : i32
    %c0_i32_9 = arith.constant 0 : i32
    return %get3A_7, %c0_i32, %c0_i32_8 : i32, i32, i32
  }
  func.func @transform_12(%arg0: i32, %arg1: memref<128xi32, #tpu.memory_space<smem>>) -> (i32, i32, i32) {
    %mul3A = arith.constant 8 : i32
    %mul3A_0 = arith.muli %mul3A, %arg0 : i32
    %add3A = arith.constant 3 : i32
    %add3A_1 = arith.addi %mul3A_0, %add3A : i32
    %get3A = arith.constant 0 : index
    %get3A_2 = memref.load %arg1[%get3A] : memref<128xi32, #tpu.memory_space<smem>>
    %sub3A = arith.constant 1 : i32
    %sub3A_3 = arith.subi %get3A_2, %sub3A : i32
    %min3A = arith.minsi %add3A_1, %sub3A_3 : i32
    %add3A_4 = arith.constant 1 : i32
    %add3A_5 = arith.addi %min3A, %add3A_4 : i32
    %get3A_6 = arith.index_cast %add3A_5 : i32 to index
    %get3A_7 = memref.load %arg1[%get3A_6] : memref<128xi32, #tpu.memory_space<smem>>
    %c0_i32 = arith.constant 0 : i32
    %c0_i32_8 = arith.constant 0 : i32
    %c0_i32_9 = arith.constant 0 : i32
    return %get3A_7, %c0_i32, %c0_i32_8 : i32, i32, i32
  }
  func.func @transform_13(%arg0: i32, %arg1: memref<128xi32, #tpu.memory_space<smem>>) -> (i32, i32, i32) {
    %mul3A = arith.constant 8 : i32
    %mul3A_0 = arith.muli %mul3A, %arg0 : i32
    %add3A = arith.constant 4 : i32
    %add3A_1 = arith.addi %mul3A_0, %add3A : i32
    %get3A = arith.constant 0 : index
    %get3A_2 = memref.load %arg1[%get3A] : memref<128xi32, #tpu.memory_space<smem>>
    %sub3A = arith.constant 1 : i32
    %sub3A_3 = arith.subi %get3A_2, %sub3A : i32
    %min3A = arith.minsi %add3A_1, %sub3A_3 : i32
    %add3A_4 = arith.constant 1 : i32
    %add3A_5 = arith.addi %min3A, %add3A_4 : i32
    %get3A_6 = arith.index_cast %add3A_5 : i32 to index
    %get3A_7 = memref.load %arg1[%get3A_6] : memref<128xi32, #tpu.memory_space<smem>>
    %c0_i32 = arith.constant 0 : i32
    %c0_i32_8 = arith.constant 0 : i32
    %c0_i32_9 = arith.constant 0 : i32
    return %get3A_7, %c0_i32, %c0_i32_8 : i32, i32, i32
  }
  func.func @transform_14(%arg0: i32, %arg1: memref<128xi32, #tpu.memory_space<smem>>) -> (i32, i32, i32) {
    %mul3A = arith.constant 8 : i32
    %mul3A_0 = arith.muli %mul3A, %arg0 : i32
    %add3A = arith.constant 5 : i32
    %add3A_1 = arith.addi %mul3A_0, %add3A : i32
    %get3A = arith.constant 0 : index
    %get3A_2 = memref.load %arg1[%get3A] : memref<128xi32, #tpu.memory_space<smem>>
    %sub3A = arith.constant 1 : i32
    %sub3A_3 = arith.subi %get3A_2, %sub3A : i32
    %min3A = arith.minsi %add3A_1, %sub3A_3 : i32
    %add3A_4 = arith.constant 1 : i32
    %add3A_5 = arith.addi %min3A, %add3A_4 : i32
    %get3A_6 = arith.index_cast %add3A_5 : i32 to index
    %get3A_7 = memref.load %arg1[%get3A_6] : memref<128xi32, #tpu.memory_space<smem>>
    %c0_i32 = arith.constant 0 : i32
    %c0_i32_8 = arith.constant 0 : i32
    %c0_i32_9 = arith.constant 0 : i32
    return %get3A_7, %c0_i32, %c0_i32_8 : i32, i32, i32
  }
  func.func @transform_15(%arg0: i32, %arg1: memref<128xi32, #tpu.memory_space<smem>>) -> (i32, i32, i32) {
    %mul3A = arith.constant 8 : i32
    %mul3A_0 = arith.muli %mul3A, %arg0 : i32
    %add3A = arith.constant 6 : i32
    %add3A_1 = arith.addi %mul3A_0, %add3A : i32
    %get3A = arith.constant 0 : index
    %get3A_2 = memref.load %arg1[%get3A] : memref<128xi32, #tpu.memory_space<smem>>
    %sub3A = arith.constant 1 : i32
    %sub3A_3 = arith.subi %get3A_2, %sub3A : i32
    %min3A = arith.minsi %add3A_1, %sub3A_3 : i32
    %add3A_4 = arith.constant 1 : i32
    %add3A_5 = arith.addi %min3A, %add3A_4 : i32
    %get3A_6 = arith.index_cast %add3A_5 : i32 to index
    %get3A_7 = memref.load %arg1[%get3A_6] : memref<128xi32, #tpu.memory_space<smem>>
    %c0_i32 = arith.constant 0 : i32
    %c0_i32_8 = arith.constant 0 : i32
    %c0_i32_9 = arith.constant 0 : i32
    return %get3A_7, %c0_i32, %c0_i32_8 : i32, i32, i32
  }
  func.func @transform_16(%arg0: i32, %arg1: memref<128xi32, #tpu.memory_space<smem>>) -> (i32, i32, i32) {
    %mul3A = arith.constant 8 : i32
    %mul3A_0 = arith.muli %mul3A, %arg0 : i32
    %add3A = arith.constant 7 : i32
    %add3A_1 = arith.addi %mul3A_0, %add3A : i32
    %get3A = arith.constant 0 : index
    %get3A_2 = memref.load %arg1[%get3A] : memref<128xi32, #tpu.memory_space<smem>>
    %sub3A = arith.constant 1 : i32
    %sub3A_3 = arith.subi %get3A_2, %sub3A : i32
    %min3A = arith.minsi %add3A_1, %sub3A_3 : i32
    %add3A_4 = arith.constant 1 : i32
    %add3A_5 = arith.addi %min3A, %add3A_4 : i32
    %get3A_6 = arith.index_cast %add3A_5 : i32 to index
    %get3A_7 = memref.load %arg1[%get3A_6] : memref<128xi32, #tpu.memory_space<smem>>
    %c0_i32 = arith.constant 0 : i32
    %c0_i32_8 = arith.constant 0 : i32
    %c0_i32_9 = arith.constant 0 : i32
    return %get3A_7, %c0_i32, %c0_i32_8 : i32, i32, i32
  }
  func.func @transform_17(%arg0: i32, %arg1: memref<128xi32, #tpu.memory_space<smem>>) -> (i32, i32) {
    %c0_i32 = arith.constant 0 : i32
    %c0_i32_0 = arith.constant 0 : i32
    %c0_i32_1 = arith.constant 0 : i32
    return %c0_i32, %c0_i32_0 : i32, i32
  }
  func.func @transform_18(%arg0: i32, %arg1: memref<128xi32, #tpu.memory_space<smem>>) -> (i32, i32) {
    %get3A = arith.constant 0 : index
    %get3A_0 = memref.load %arg1[%get3A] : memref<128xi32, #tpu.memory_space<smem>>
    %sub3A = arith.constant 1 : i32
    %sub3A_1 = arith.subi %get3A_0, %sub3A : i32
    %jit3A = arith.constant 8 : i32
    %div3A = arith.divsi %sub3A_1, %jit3A : i32
    %sign3A = arith.constant 0 : i32
    %sign3A_2 = arith.cmpi sgt, %sub3A_1, %sign3A : i32
    %sign3A_3 = arith.extui %sign3A_2 : i1 to i32
    %sign3A_4 = arith.constant 0 : i32
    %sign3A_5 = arith.cmpi slt, %sub3A_1, %sign3A_4 : i32
    %sign3A_6 = arith.extui %sign3A_5 : i1 to i32
    %sign3A_7 = arith.subi %sign3A_3, %sign3A_6 : i32
    %sign3A_8 = arith.constant 0 : i32
    %sign3A_9 = arith.cmpi sgt, %jit3A, %sign3A_8 : i32
    %sign3A_10 = arith.extui %sign3A_9 : i1 to i32
    %sign3A_11 = arith.constant 0 : i32
    %sign3A_12 = arith.cmpi slt, %jit3A, %sign3A_11 : i32
    %sign3A_13 = arith.extui %sign3A_12 : i1 to i32
    %sign3A_14 = arith.subi %sign3A_10, %sign3A_13 : i32
    %ne3A = arith.cmpi ne, %sign3A_7, %sign3A_14 : i32
    %rem3A = arith.remsi %sub3A_1, %jit3A : i32
    %ne3A_15 = arith.constant 0 : i32
    %ne3A_16 = arith.cmpi ne, %rem3A, %ne3A_15 : i32
    %and3A = arith.andi %ne3A, %ne3A_16 : i1
    %sub3A_17 = arith.constant 1 : i32
    %sub3A_18 = arith.subi %div3A, %sub3A_17 : i32
    %select_n3A = arith.select %and3A, %sub3A_18, %div3A : i32
    %min3A = arith.minsi %arg0, %select_n3A : i32
    %c0_i32 = arith.constant 0 : i32
    %c0_i32_19 = arith.constant 0 : i32
    return %min3A, %c0_i32 : i32, i32
  }
}

module attributes {stable_mosaic.version = 14 : i64} {
  func.func @_router_body(%arg0: memref<2048x768xf32, #tpu.memory_space<vmem>>, %arg1: memref<1x768xf32, #tpu.memory_space<vmem>>, %arg2: memref<768x64xf32, #tpu.memory_space<vmem>>, %arg3: memref<16x128xi32, #tpu.memory_space<vmem>>, %arg4: memref<1x128xi32, #tpu.memory_space<vmem>>) attributes {dimension_semantics = [], scalar_prefetch = 0 : i64, scratch_operands = 0 : i64, tpu.core_type = #tpu.core_type<tc>} {
    %get3A = arith.constant 0 : index
    %get3A_0 = arith.constant 0 : index
    %get3A_1 = vector.load %arg0[%get3A, %get3A_0] : memref<2048x768xf32, #tpu.memory_space<vmem>>, vector<2048x768xf32>
    %mul3A = arith.mulf %get3A_1, %get3A_1 : vector<2048x768xf32>
    %reduce_sum3A = arith.constant dense<0.000000e+00> : vector<2048xf32>
    %reduce_sum3A_2 = vector.multi_reduction <add>, %mul3A, %reduce_sum3A [1] : vector<2048x768xf32> to vector<2048xf32>
    %broadcast_in_dim3A = vector.shape_cast %reduce_sum3A_2 : vector<2048xf32> to vector<2048x1xf32>
    %div3A = arith.constant 7.680000e+02 : f32
    %div3A_3 = vector.broadcast %div3A : f32 to vector<2048x1xf32>
    %div3A_4 = arith.divf %broadcast_in_dim3A, %div3A_3 : vector<2048x1xf32>
    %add3A = arith.constant 9.99999997E-7 : f32
    %add3A_5 = vector.broadcast %add3A : f32 to vector<2048x1xf32>
    %add3A_6 = arith.addf %div3A_4, %add3A_5 : vector<2048x1xf32>
    %rsqrt3A = math.rsqrt %add3A_6 : vector<2048x1xf32>
    %mul3A_7 = vector.broadcast %rsqrt3A : vector<2048x1xf32> to vector<2048x768xf32>
    %mul3A_8 = arith.mulf %get3A_1, %mul3A_7 : vector<2048x768xf32>
    %rsqrt3A_9 = arith.constant 7.680000e+02 : f32
    %rsqrt3A_10 = math.rsqrt %rsqrt3A_9 : f32
    %mul3A_11 = vector.broadcast %rsqrt3A_10 : f32 to vector<2048x768xf32>
    %mul3A_12 = arith.mulf %mul3A_8, %mul3A_11 : vector<2048x768xf32>
    %get3A_13 = arith.constant 0 : index
    %get3A_14 = arith.constant 0 : index
    %get3A_15 = vector.load %arg1[%get3A_13, %get3A_14] : memref<1x768xf32, #tpu.memory_space<vmem>>, vector<1x768xf32>
    %mul3A_16 = vector.broadcast %get3A_15 : vector<1x768xf32> to vector<2048x768xf32>
    %mul3A_17 = arith.mulf %mul3A_12, %mul3A_16 : vector<2048x768xf32>
    %get3A_18 = arith.constant 0 : index
    %get3A_19 = arith.constant 0 : index
    %get3A_20 = vector.load %arg2[%get3A_18, %get3A_19] : memref<768x64xf32, #tpu.memory_space<vmem>>, vector<768x64xf32>
    %dot_general3A = arith.constant dense<0.000000e+00> : vector<2048x64xf32>
    %dot_general3A_21 = tpu.matmul %mul3A_17, %get3A_20, %dot_general3A {dimension_numbers = #tpu.dot_dimension_numbers<[1], [0], [0], [1], [0, 0, 1, 1], [], []>, transpose_lhs_hint = false} : vector<2048x768xf32>, vector<768x64xf32>, vector<2048x64xf32> -> vector<2048x64xf32>
    %iota3A = tpu.iota {dimensions = array<i32: 1>} : vector<2048x64xi32>
    %reduce_max3A = arith.constant dense<0xFF800000> : vector<2048xf32>
    %reduce_max3A_22 = vector.multi_reduction <maximumf>, %dot_general3A_21, %reduce_max3A [1] : vector<2048x64xf32> to vector<2048xf32>
    %broadcast_in_dim3A_23 = vector.shape_cast %reduce_max3A_22 : vector<2048xf32> to vector<2048x1xf32>
    %eq3A = vector.broadcast %broadcast_in_dim3A_23 : vector<2048x1xf32> to vector<2048x64xf32>
    %eq3A_24 = arith.cmpf oeq, %dot_general3A_21, %eq3A : vector<2048x64xf32>
    %jit3A = arith.constant 64 : i32
    %broadcast_in_dim3A_25 = vector.broadcast %jit3A : i32 to vector<2048x64xi32>
    %select_n3A = arith.select %eq3A_24, %iota3A, %broadcast_in_dim3A_25 : vector<2048x64xi1>, vector<2048x64xi32>
    %reduce_min3A = arith.constant dense<2147483647> : vector<2048xi32>
    %reduce_min3A_26 = vector.multi_reduction <minsi>, %select_n3A, %reduce_min3A [1] : vector<2048x64xi32> to vector<2048xi32>
    %broadcast_in_dim3A_27 = vector.shape_cast %reduce_min3A_26 : vector<2048xi32> to vector<2048x1xi32>
    %eq3A_28 = vector.broadcast %broadcast_in_dim3A_27 : vector<2048x1xi32> to vector<2048x64xi32>
    %eq3A_29 = arith.cmpi eq, %eq3A_28, %iota3A : vector<2048x64xi32>
    %convert_element_type3A = arith.extui %eq3A_29 : vector<2048x64xi1> to vector<2048x64xi32>
    %convert_element_type3A_30 = arith.sitofp %convert_element_type3A : vector<2048x64xi32> to vector<2048x64xf32>
    %iota3A_31 = tpu.iota {dimensions = array<i32: 0>} : vector<128x128xi32>
    %iota3A_32 = tpu.iota {dimensions = array<i32: 1>} : vector<128x128xi32>
    %ge3A = arith.cmpi sge, %iota3A_31, %iota3A_32 : vector<128x128xi32>
    %convert_element_type3A_33 = arith.extui %ge3A : vector<128x128xi1> to vector<128x128xi32>
    %convert_element_type3A_34 = arith.sitofp %convert_element_type3A_33 : vector<128x128xi32> to vector<128x128xf32>
    %slice3A = vector.extract_strided_slice %convert_element_type3A_30 {offsets = [0, 0], sizes = [128, 64], strides = [1, 1]} : vector<2048x64xf32> to vector<128x64xf32>
    %dot_general3A_35 = arith.constant dense<0.000000e+00> : vector<128x64xf32>
    %dot_general3A_36 = tpu.matmul %convert_element_type3A_34, %slice3A, %dot_general3A_35 {dimension_numbers = #tpu.dot_dimension_numbers<[1], [0], [0], [1], [0, 0, 1, 1], [], []>, transpose_lhs_hint = false} : vector<128x128xf32>, vector<128x64xf32>, vector<128x64xf32> -> vector<128x64xf32>
    %slice3A_37 = vector.extract_strided_slice %dot_general3A_36 {offsets = [127, 0], sizes = [1, 64], strides = [1, 1]} : vector<128x64xf32> to vector<1x64xf32>
    %slice3A_38 = vector.extract_strided_slice %convert_element_type3A_30 {offsets = [128, 0], sizes = [128, 64], strides = [1, 1]} : vector<2048x64xf32> to vector<128x64xf32>
    %dot_general3A_39 = arith.constant dense<0.000000e+00> : vector<128x64xf32>
    %dot_general3A_40 = tpu.matmul %convert_element_type3A_34, %slice3A_38, %dot_general3A_39 {dimension_numbers = #tpu.dot_dimension_numbers<[1], [0], [0], [1], [0, 0, 1, 1], [], []>, transpose_lhs_hint = false} : vector<128x128xf32>, vector<128x64xf32>, vector<128x64xf32> -> vector<128x64xf32>
    %slice3A_41 = vector.extract_strided_slice %dot_general3A_40 {offsets = [127, 0], sizes = [1, 64], strides = [1, 1]} : vector<128x64xf32> to vector<1x64xf32>
    %slice3A_42 = vector.extract_strided_slice %convert_element_type3A_30 {offsets = [256, 0], sizes = [128, 64], strides = [1, 1]} : vector<2048x64xf32> to vector<128x64xf32>
    %dot_general3A_43 = arith.constant dense<0.000000e+00> : vector<128x64xf32>
    %dot_general3A_44 = tpu.matmul %convert_element_type3A_34, %slice3A_42, %dot_general3A_43 {dimension_numbers = #tpu.dot_dimension_numbers<[1], [0], [0], [1], [0, 0, 1, 1], [], []>, transpose_lhs_hint = false} : vector<128x128xf32>, vector<128x64xf32>, vector<128x64xf32> -> vector<128x64xf32>
    %slice3A_45 = vector.extract_strided_slice %dot_general3A_44 {offsets = [127, 0], sizes = [1, 64], strides = [1, 1]} : vector<128x64xf32> to vector<1x64xf32>
    %slice3A_46 = vector.extract_strided_slice %convert_element_type3A_30 {offsets = [384, 0], sizes = [128, 64], strides = [1, 1]} : vector<2048x64xf32> to vector<128x64xf32>
    %dot_general3A_47 = arith.constant dense<0.000000e+00> : vector<128x64xf32>
    %dot_general3A_48 = tpu.matmul %convert_element_type3A_34, %slice3A_46, %dot_general3A_47 {dimension_numbers = #tpu.dot_dimension_numbers<[1], [0], [0], [1], [0, 0, 1, 1], [], []>, transpose_lhs_hint = false} : vector<128x128xf32>, vector<128x64xf32>, vector<128x64xf32> -> vector<128x64xf32>
    %slice3A_49 = vector.extract_strided_slice %dot_general3A_48 {offsets = [127, 0], sizes = [1, 64], strides = [1, 1]} : vector<128x64xf32> to vector<1x64xf32>
    %slice3A_50 = vector.extract_strided_slice %convert_element_type3A_30 {offsets = [512, 0], sizes = [128, 64], strides = [1, 1]} : vector<2048x64xf32> to vector<128x64xf32>
    %dot_general3A_51 = arith.constant dense<0.000000e+00> : vector<128x64xf32>
    %dot_general3A_52 = tpu.matmul %convert_element_type3A_34, %slice3A_50, %dot_general3A_51 {dimension_numbers = #tpu.dot_dimension_numbers<[1], [0], [0], [1], [0, 0, 1, 1], [], []>, transpose_lhs_hint = false} : vector<128x128xf32>, vector<128x64xf32>, vector<128x64xf32> -> vector<128x64xf32>
    %slice3A_53 = vector.extract_strided_slice %dot_general3A_52 {offsets = [127, 0], sizes = [1, 64], strides = [1, 1]} : vector<128x64xf32> to vector<1x64xf32>
    %slice3A_54 = vector.extract_strided_slice %convert_element_type3A_30 {offsets = [640, 0], sizes = [128, 64], strides = [1, 1]} : vector<2048x64xf32> to vector<128x64xf32>
    %dot_general3A_55 = arith.constant dense<0.000000e+00> : vector<128x64xf32>
    %dot_general3A_56 = tpu.matmul %convert_element_type3A_34, %slice3A_54, %dot_general3A_55 {dimension_numbers = #tpu.dot_dimension_numbers<[1], [0], [0], [1], [0, 0, 1, 1], [], []>, transpose_lhs_hint = false} : vector<128x128xf32>, vector<128x64xf32>, vector<128x64xf32> -> vector<128x64xf32>
    %slice3A_57 = vector.extract_strided_slice %dot_general3A_56 {offsets = [127, 0], sizes = [1, 64], strides = [1, 1]} : vector<128x64xf32> to vector<1x64xf32>
    %slice3A_58 = vector.extract_strided_slice %convert_element_type3A_30 {offsets = [768, 0], sizes = [128, 64], strides = [1, 1]} : vector<2048x64xf32> to vector<128x64xf32>
    %dot_general3A_59 = arith.constant dense<0.000000e+00> : vector<128x64xf32>
    %dot_general3A_60 = tpu.matmul %convert_element_type3A_34, %slice3A_58, %dot_general3A_59 {dimension_numbers = #tpu.dot_dimension_numbers<[1], [0], [0], [1], [0, 0, 1, 1], [], []>, transpose_lhs_hint = false} : vector<128x128xf32>, vector<128x64xf32>, vector<128x64xf32> -> vector<128x64xf32>
    %slice3A_61 = vector.extract_strided_slice %dot_general3A_60 {offsets = [127, 0], sizes = [1, 64], strides = [1, 1]} : vector<128x64xf32> to vector<1x64xf32>
    %slice3A_62 = vector.extract_strided_slice %convert_element_type3A_30 {offsets = [896, 0], sizes = [128, 64], strides = [1, 1]} : vector<2048x64xf32> to vector<128x64xf32>
    %dot_general3A_63 = arith.constant dense<0.000000e+00> : vector<128x64xf32>
    %dot_general3A_64 = tpu.matmul %convert_element_type3A_34, %slice3A_62, %dot_general3A_63 {dimension_numbers = #tpu.dot_dimension_numbers<[1], [0], [0], [1], [0, 0, 1, 1], [], []>, transpose_lhs_hint = false} : vector<128x128xf32>, vector<128x64xf32>, vector<128x64xf32> -> vector<128x64xf32>
    %slice3A_65 = vector.extract_strided_slice %dot_general3A_64 {offsets = [127, 0], sizes = [1, 64], strides = [1, 1]} : vector<128x64xf32> to vector<1x64xf32>
    %slice3A_66 = vector.extract_strided_slice %convert_element_type3A_30 {offsets = [1024, 0], sizes = [128, 64], strides = [1, 1]} : vector<2048x64xf32> to vector<128x64xf32>
    %dot_general3A_67 = arith.constant dense<0.000000e+00> : vector<128x64xf32>
    %dot_general3A_68 = tpu.matmul %convert_element_type3A_34, %slice3A_66, %dot_general3A_67 {dimension_numbers = #tpu.dot_dimension_numbers<[1], [0], [0], [1], [0, 0, 1, 1], [], []>, transpose_lhs_hint = false} : vector<128x128xf32>, vector<128x64xf32>, vector<128x64xf32> -> vector<128x64xf32>
    %slice3A_69 = vector.extract_strided_slice %dot_general3A_68 {offsets = [127, 0], sizes = [1, 64], strides = [1, 1]} : vector<128x64xf32> to vector<1x64xf32>
    %slice3A_70 = vector.extract_strided_slice %convert_element_type3A_30 {offsets = [1152, 0], sizes = [128, 64], strides = [1, 1]} : vector<2048x64xf32> to vector<128x64xf32>
    %dot_general3A_71 = arith.constant dense<0.000000e+00> : vector<128x64xf32>
    %dot_general3A_72 = tpu.matmul %convert_element_type3A_34, %slice3A_70, %dot_general3A_71 {dimension_numbers = #tpu.dot_dimension_numbers<[1], [0], [0], [1], [0, 0, 1, 1], [], []>, transpose_lhs_hint = false} : vector<128x128xf32>, vector<128x64xf32>, vector<128x64xf32> -> vector<128x64xf32>
    %slice3A_73 = vector.extract_strided_slice %dot_general3A_72 {offsets = [127, 0], sizes = [1, 64], strides = [1, 1]} : vector<128x64xf32> to vector<1x64xf32>
    %slice3A_74 = vector.extract_strided_slice %convert_element_type3A_30 {offsets = [1280, 0], sizes = [128, 64], strides = [1, 1]} : vector<2048x64xf32> to vector<128x64xf32>
    %dot_general3A_75 = arith.constant dense<0.000000e+00> : vector<128x64xf32>
    %dot_general3A_76 = tpu.matmul %convert_element_type3A_34, %slice3A_74, %dot_general3A_75 {dimension_numbers = #tpu.dot_dimension_numbers<[1], [0], [0], [1], [0, 0, 1, 1], [], []>, transpose_lhs_hint = false} : vector<128x128xf32>, vector<128x64xf32>, vector<128x64xf32> -> vector<128x64xf32>
    %slice3A_77 = vector.extract_strided_slice %dot_general3A_76 {offsets = [127, 0], sizes = [1, 64], strides = [1, 1]} : vector<128x64xf32> to vector<1x64xf32>
    %slice3A_78 = vector.extract_strided_slice %convert_element_type3A_30 {offsets = [1408, 0], sizes = [128, 64], strides = [1, 1]} : vector<2048x64xf32> to vector<128x64xf32>
    %dot_general3A_79 = arith.constant dense<0.000000e+00> : vector<128x64xf32>
    %dot_general3A_80 = tpu.matmul %convert_element_type3A_34, %slice3A_78, %dot_general3A_79 {dimension_numbers = #tpu.dot_dimension_numbers<[1], [0], [0], [1], [0, 0, 1, 1], [], []>, transpose_lhs_hint = false} : vector<128x128xf32>, vector<128x64xf32>, vector<128x64xf32> -> vector<128x64xf32>
    %slice3A_81 = vector.extract_strided_slice %dot_general3A_80 {offsets = [127, 0], sizes = [1, 64], strides = [1, 1]} : vector<128x64xf32> to vector<1x64xf32>
    %slice3A_82 = vector.extract_strided_slice %convert_element_type3A_30 {offsets = [1536, 0], sizes = [128, 64], strides = [1, 1]} : vector<2048x64xf32> to vector<128x64xf32>
    %dot_general3A_83 = arith.constant dense<0.000000e+00> : vector<128x64xf32>
    %dot_general3A_84 = tpu.matmul %convert_element_type3A_34, %slice3A_82, %dot_general3A_83 {dimension_numbers = #tpu.dot_dimension_numbers<[1], [0], [0], [1], [0, 0, 1, 1], [], []>, transpose_lhs_hint = false} : vector<128x128xf32>, vector<128x64xf32>, vector<128x64xf32> -> vector<128x64xf32>
    %slice3A_85 = vector.extract_strided_slice %dot_general3A_84 {offsets = [127, 0], sizes = [1, 64], strides = [1, 1]} : vector<128x64xf32> to vector<1x64xf32>
    %slice3A_86 = vector.extract_strided_slice %convert_element_type3A_30 {offsets = [1664, 0], sizes = [128, 64], strides = [1, 1]} : vector<2048x64xf32> to vector<128x64xf32>
    %dot_general3A_87 = arith.constant dense<0.000000e+00> : vector<128x64xf32>
    %dot_general3A_88 = tpu.matmul %convert_element_type3A_34, %slice3A_86, %dot_general3A_87 {dimension_numbers = #tpu.dot_dimension_numbers<[1], [0], [0], [1], [0, 0, 1, 1], [], []>, transpose_lhs_hint = false} : vector<128x128xf32>, vector<128x64xf32>, vector<128x64xf32> -> vector<128x64xf32>
    %slice3A_89 = vector.extract_strided_slice %dot_general3A_88 {offsets = [127, 0], sizes = [1, 64], strides = [1, 1]} : vector<128x64xf32> to vector<1x64xf32>
    %slice3A_90 = vector.extract_strided_slice %convert_element_type3A_30 {offsets = [1792, 0], sizes = [128, 64], strides = [1, 1]} : vector<2048x64xf32> to vector<128x64xf32>
    %dot_general3A_91 = arith.constant dense<0.000000e+00> : vector<128x64xf32>
    %dot_general3A_92 = tpu.matmul %convert_element_type3A_34, %slice3A_90, %dot_general3A_91 {dimension_numbers = #tpu.dot_dimension_numbers<[1], [0], [0], [1], [0, 0, 1, 1], [], []>, transpose_lhs_hint = false} : vector<128x128xf32>, vector<128x64xf32>, vector<128x64xf32> -> vector<128x64xf32>
    %slice3A_93 = vector.extract_strided_slice %dot_general3A_92 {offsets = [127, 0], sizes = [1, 64], strides = [1, 1]} : vector<128x64xf32> to vector<1x64xf32>
    %slice3A_94 = vector.extract_strided_slice %convert_element_type3A_30 {offsets = [1920, 0], sizes = [128, 64], strides = [1, 1]} : vector<2048x64xf32> to vector<128x64xf32>
    %dot_general3A_95 = arith.constant dense<0.000000e+00> : vector<128x64xf32>
    %dot_general3A_96 = tpu.matmul %convert_element_type3A_34, %slice3A_94, %dot_general3A_95 {dimension_numbers = #tpu.dot_dimension_numbers<[1], [0], [0], [1], [0, 0, 1, 1], [], []>, transpose_lhs_hint = false} : vector<128x128xf32>, vector<128x64xf32>, vector<128x64xf32> -> vector<128x64xf32>
    %slice3A_97 = vector.extract_strided_slice %dot_general3A_96 {offsets = [127, 0], sizes = [1, 64], strides = [1, 1]} : vector<128x64xf32> to vector<1x64xf32>
    %concatenate3A = tpu.concatenate %slice3A_37, %slice3A_41, %slice3A_45, %slice3A_49, %slice3A_53, %slice3A_57, %slice3A_61, %slice3A_65, %slice3A_69, %slice3A_73, %slice3A_77, %slice3A_81, %slice3A_85, %slice3A_89, %slice3A_93, %slice3A_97 in 0 : vector<1x64xf32>, vector<1x64xf32>, vector<1x64xf32>, vector<1x64xf32>, vector<1x64xf32>, vector<1x64xf32>, vector<1x64xf32>, vector<1x64xf32>, vector<1x64xf32>, vector<1x64xf32>, vector<1x64xf32>, vector<1x64xf32>, vector<1x64xf32>, vector<1x64xf32>, vector<1x64xf32>, vector<1x64xf32> -> vector<16x64xf32>
    %broadcast_in_dim3A_98 = arith.constant 0.000000e+00 : f32
    %broadcast_in_dim3A_99 = vector.broadcast %broadcast_in_dim3A_98 : f32 to vector<1x64xf32>
    %slice3A_100 = vector.extract_strided_slice %concatenate3A {offsets = [0, 0], sizes = [15, 64], strides = [1, 1]} : vector<16x64xf32> to vector<15x64xf32>
    %concatenate3A_101 = tpu.concatenate %broadcast_in_dim3A_99, %slice3A_100 in 0 : vector<1x64xf32>, vector<15x64xf32> -> vector<16x64xf32>
    %add3A_102 = arith.addf %concatenate3A, %concatenate3A_101 : vector<16x64xf32>
    %broadcast_in_dim3A_103 = arith.constant 0.000000e+00 : f32
    %broadcast_in_dim3A_104 = vector.broadcast %broadcast_in_dim3A_103 : f32 to vector<2x64xf32>
    %slice3A_105 = vector.extract_strided_slice %add3A_102 {offsets = [0, 0], sizes = [14, 64], strides = [1, 1]} : vector<16x64xf32> to vector<14x64xf32>
    %concatenate3A_106 = tpu.concatenate %broadcast_in_dim3A_104, %slice3A_105 in 0 : vector<2x64xf32>, vector<14x64xf32> -> vector<16x64xf32>
    %add3A_107 = arith.addf %add3A_102, %concatenate3A_106 : vector<16x64xf32>
    %broadcast_in_dim3A_108 = arith.constant 0.000000e+00 : f32
    %broadcast_in_dim3A_109 = vector.broadcast %broadcast_in_dim3A_108 : f32 to vector<4x64xf32>
    %slice3A_110 = vector.extract_strided_slice %add3A_107 {offsets = [0, 0], sizes = [12, 64], strides = [1, 1]} : vector<16x64xf32> to vector<12x64xf32>
    %concatenate3A_111 = tpu.concatenate %broadcast_in_dim3A_109, %slice3A_110 in 0 : vector<4x64xf32>, vector<12x64xf32> -> vector<16x64xf32>
    %add3A_112 = arith.addf %add3A_107, %concatenate3A_111 : vector<16x64xf32>
    %broadcast_in_dim3A_113 = arith.constant 0.000000e+00 : f32
    %broadcast_in_dim3A_114 = vector.broadcast %broadcast_in_dim3A_113 : f32 to vector<8x64xf32>
    %slice3A_115 = vector.extract_strided_slice %add3A_112 {offsets = [0, 0], sizes = [8, 64], strides = [1, 1]} : vector<16x64xf32> to vector<8x64xf32>
    %concatenate3A_116 = tpu.concatenate %broadcast_in_dim3A_114, %slice3A_115 in 0 : vector<8x64xf32>, vector<8x64xf32> -> vector<16x64xf32>
    %add3A_117 = arith.addf %add3A_112, %concatenate3A_116 : vector<16x64xf32>
    %sub3A = arith.subf %add3A_117, %concatenate3A : vector<16x64xf32>
    %slice3A_118 = vector.extract_strided_slice %sub3A {offsets = [0, 0], sizes = [1, 64], strides = [1, 1]} : vector<16x64xf32> to vector<1x64xf32>
    %add3A_119 = vector.broadcast %slice3A_118 : vector<1x64xf32> to vector<128x64xf32>
    %add3A_120 = arith.addf %dot_general3A_36, %add3A_119 : vector<128x64xf32>
    %slice3A_121 = vector.extract_strided_slice %sub3A {offsets = [1, 0], sizes = [1, 64], strides = [1, 1]} : vector<16x64xf32> to vector<1x64xf32>
    %add3A_122 = vector.broadcast %slice3A_121 : vector<1x64xf32> to vector<128x64xf32>
    %add3A_123 = arith.addf %dot_general3A_40, %add3A_122 : vector<128x64xf32>
    %slice3A_124 = vector.extract_strided_slice %sub3A {offsets = [2, 0], sizes = [1, 64], strides = [1, 1]} : vector<16x64xf32> to vector<1x64xf32>
    %add3A_125 = vector.broadcast %slice3A_124 : vector<1x64xf32> to vector<128x64xf32>
    %add3A_126 = arith.addf %dot_general3A_44, %add3A_125 : vector<128x64xf32>
    %slice3A_127 = vector.extract_strided_slice %sub3A {offsets = [3, 0], sizes = [1, 64], strides = [1, 1]} : vector<16x64xf32> to vector<1x64xf32>
    %add3A_128 = vector.broadcast %slice3A_127 : vector<1x64xf32> to vector<128x64xf32>
    %add3A_129 = arith.addf %dot_general3A_48, %add3A_128 : vector<128x64xf32>
    %slice3A_130 = vector.extract_strided_slice %sub3A {offsets = [4, 0], sizes = [1, 64], strides = [1, 1]} : vector<16x64xf32> to vector<1x64xf32>
    %add3A_131 = vector.broadcast %slice3A_130 : vector<1x64xf32> to vector<128x64xf32>
    %add3A_132 = arith.addf %dot_general3A_52, %add3A_131 : vector<128x64xf32>
    %slice3A_133 = vector.extract_strided_slice %sub3A {offsets = [5, 0], sizes = [1, 64], strides = [1, 1]} : vector<16x64xf32> to vector<1x64xf32>
    %add3A_134 = vector.broadcast %slice3A_133 : vector<1x64xf32> to vector<128x64xf32>
    %add3A_135 = arith.addf %dot_general3A_56, %add3A_134 : vector<128x64xf32>
    %slice3A_136 = vector.extract_strided_slice %sub3A {offsets = [6, 0], sizes = [1, 64], strides = [1, 1]} : vector<16x64xf32> to vector<1x64xf32>
    %add3A_137 = vector.broadcast %slice3A_136 : vector<1x64xf32> to vector<128x64xf32>
    %add3A_138 = arith.addf %dot_general3A_60, %add3A_137 : vector<128x64xf32>
    %slice3A_139 = vector.extract_strided_slice %sub3A {offsets = [7, 0], sizes = [1, 64], strides = [1, 1]} : vector<16x64xf32> to vector<1x64xf32>
    %add3A_140 = vector.broadcast %slice3A_139 : vector<1x64xf32> to vector<128x64xf32>
    %add3A_141 = arith.addf %dot_general3A_64, %add3A_140 : vector<128x64xf32>
    %slice3A_142 = vector.extract_strided_slice %sub3A {offsets = [8, 0], sizes = [1, 64], strides = [1, 1]} : vector<16x64xf32> to vector<1x64xf32>
    %add3A_143 = vector.broadcast %slice3A_142 : vector<1x64xf32> to vector<128x64xf32>
    %add3A_144 = arith.addf %dot_general3A_68, %add3A_143 : vector<128x64xf32>
    %slice3A_145 = vector.extract_strided_slice %sub3A {offsets = [9, 0], sizes = [1, 64], strides = [1, 1]} : vector<16x64xf32> to vector<1x64xf32>
    %add3A_146 = vector.broadcast %slice3A_145 : vector<1x64xf32> to vector<128x64xf32>
    %add3A_147 = arith.addf %dot_general3A_72, %add3A_146 : vector<128x64xf32>
    %slice3A_148 = vector.extract_strided_slice %sub3A {offsets = [10, 0], sizes = [1, 64], strides = [1, 1]} : vector<16x64xf32> to vector<1x64xf32>
    %add3A_149 = vector.broadcast %slice3A_148 : vector<1x64xf32> to vector<128x64xf32>
    %add3A_150 = arith.addf %dot_general3A_76, %add3A_149 : vector<128x64xf32>
    %slice3A_151 = vector.extract_strided_slice %sub3A {offsets = [11, 0], sizes = [1, 64], strides = [1, 1]} : vector<16x64xf32> to vector<1x64xf32>
    %add3A_152 = vector.broadcast %slice3A_151 : vector<1x64xf32> to vector<128x64xf32>
    %add3A_153 = arith.addf %dot_general3A_80, %add3A_152 : vector<128x64xf32>
    %slice3A_154 = vector.extract_strided_slice %sub3A {offsets = [12, 0], sizes = [1, 64], strides = [1, 1]} : vector<16x64xf32> to vector<1x64xf32>
    %add3A_155 = vector.broadcast %slice3A_154 : vector<1x64xf32> to vector<128x64xf32>
    %add3A_156 = arith.addf %dot_general3A_84, %add3A_155 : vector<128x64xf32>
    %slice3A_157 = vector.extract_strided_slice %sub3A {offsets = [13, 0], sizes = [1, 64], strides = [1, 1]} : vector<16x64xf32> to vector<1x64xf32>
    %add3A_158 = vector.broadcast %slice3A_157 : vector<1x64xf32> to vector<128x64xf32>
    %add3A_159 = arith.addf %dot_general3A_88, %add3A_158 : vector<128x64xf32>
    %slice3A_160 = vector.extract_strided_slice %sub3A {offsets = [14, 0], sizes = [1, 64], strides = [1, 1]} : vector<16x64xf32> to vector<1x64xf32>
    %add3A_161 = vector.broadcast %slice3A_160 : vector<1x64xf32> to vector<128x64xf32>
    %add3A_162 = arith.addf %dot_general3A_92, %add3A_161 : vector<128x64xf32>
    %slice3A_163 = vector.extract_strided_slice %sub3A {offsets = [15, 0], sizes = [1, 64], strides = [1, 1]} : vector<16x64xf32> to vector<1x64xf32>
    %add3A_164 = vector.broadcast %slice3A_163 : vector<1x64xf32> to vector<128x64xf32>
    %add3A_165 = arith.addf %dot_general3A_96, %add3A_164 : vector<128x64xf32>
    %concatenate3A_166 = tpu.concatenate %add3A_120, %add3A_123, %add3A_126, %add3A_129, %add3A_132, %add3A_135, %add3A_138, %add3A_141, %add3A_144, %add3A_147, %add3A_150, %add3A_153, %add3A_156, %add3A_159, %add3A_162, %add3A_165 in 0 : vector<128x64xf32>, vector<128x64xf32>, vector<128x64xf32>, vector<128x64xf32>, vector<128x64xf32>, vector<128x64xf32>, vector<128x64xf32>, vector<128x64xf32>, vector<128x64xf32>, vector<128x64xf32>, vector<128x64xf32>, vector<128x64xf32>, vector<128x64xf32>, vector<128x64xf32>, vector<128x64xf32>, vector<128x64xf32> -> vector<2048x64xf32>
    %convert_element_type3A_167 = arith.fptosi %concatenate3A_166 : vector<2048x64xf32> to vector<2048x64xi32>
    %convert_element_type3A_168 = arith.fptosi %convert_element_type3A_30 : vector<2048x64xf32> to vector<2048x64xi32>
    %slice3A_169 = vector.extract_strided_slice %convert_element_type3A_167 {offsets = [2047, 0], sizes = [1, 64], strides = [1, 1]} : vector<2048x64xi32> to vector<1x64xi32>
    %mul3A_170 = arith.muli %convert_element_type3A_168, %convert_element_type3A_167 : vector<2048x64xi32>
    %reduce_sum3A_171 = arith.constant dense<0> : vector<2048xi32>
    %reduce_sum3A_172 = vector.multi_reduction <add>, %mul3A_170, %reduce_sum3A_171 [1] : vector<2048x64xi32> to vector<2048xi32>
    %sub3A_173 = arith.constant 1 : i32
    %sub3A_174 = vector.broadcast %sub3A_173 : i32 to vector<2048xi32>
    %sub3A_175 = arith.subi %reduce_sum3A_172, %sub3A_174 : vector<2048xi32>
    %add3A_176 = arith.constant 64 : i32
    %add3A_177 = vector.broadcast %add3A_176 : i32 to vector<1x64xi32>
    %add3A_178 = arith.addi %slice3A_169, %add3A_177 : vector<1x64xi32>
    %sub3A_179 = arith.constant 1 : i32
    %sub3A_180 = vector.broadcast %sub3A_179 : i32 to vector<1x64xi32>
    %sub3A_181 = arith.subi %add3A_178, %sub3A_180 : vector<1x64xi32>
    %jit3A_182 = arith.constant 64 : i32
    %div3A_183 = vector.broadcast %jit3A_182 : i32 to vector<1x64xi32>
    %div3A_184 = arith.divsi %sub3A_181, %div3A_183 : vector<1x64xi32>
    %sign3A = arith.constant 0 : i32
    %sign3A_185 = vector.broadcast %sign3A : i32 to vector<1x64xi32>
    %sign3A_186 = arith.cmpi sgt, %sub3A_181, %sign3A_185 : vector<1x64xi32>
    %sign3A_187 = arith.extui %sign3A_186 : vector<1x64xi1> to vector<1x64xi32>
    %sign3A_188 = arith.constant 0 : i32
    %sign3A_189 = vector.broadcast %sign3A_188 : i32 to vector<1x64xi32>
    %sign3A_190 = arith.cmpi slt, %sub3A_181, %sign3A_189 : vector<1x64xi32>
    %sign3A_191 = arith.extui %sign3A_190 : vector<1x64xi1> to vector<1x64xi32>
    %sign3A_192 = arith.subi %sign3A_187, %sign3A_191 : vector<1x64xi32>
    %sign3A_193 = arith.constant 0 : i32
    %sign3A_194 = arith.cmpi sgt, %jit3A_182, %sign3A_193 : i32
    %sign3A_195 = arith.extui %sign3A_194 : i1 to i32
    %sign3A_196 = arith.constant 0 : i32
    %sign3A_197 = arith.cmpi slt, %jit3A_182, %sign3A_196 : i32
    %sign3A_198 = arith.extui %sign3A_197 : i1 to i32
    %sign3A_199 = arith.subi %sign3A_195, %sign3A_198 : i32
    %ne3A = vector.broadcast %sign3A_199 : i32 to vector<1x64xi32>
    %ne3A_200 = arith.cmpi ne, %sign3A_192, %ne3A : vector<1x64xi32>
    %rem3A = vector.broadcast %jit3A_182 : i32 to vector<1x64xi32>
    %rem3A_201 = arith.remsi %sub3A_181, %rem3A : vector<1x64xi32>
    %ne3A_202 = arith.constant 0 : i32
    %ne3A_203 = vector.broadcast %ne3A_202 : i32 to vector<1x64xi32>
    %ne3A_204 = arith.cmpi ne, %rem3A_201, %ne3A_203 : vector<1x64xi32>
    %and3A = arith.andi %ne3A_200, %ne3A_204 : vector<1x64xi1>
    %sub3A_205 = arith.constant 1 : i32
    %sub3A_206 = vector.broadcast %sub3A_205 : i32 to vector<1x64xi32>
    %sub3A_207 = arith.subi %div3A_184, %sub3A_206 : vector<1x64xi32>
    %select_n3A_208 = arith.select %and3A, %sub3A_207, %div3A_184 : vector<1x64xi1>, vector<1x64xi32>
    %mul3A_209 = arith.constant 64 : i32
    %mul3A_210 = vector.broadcast %mul3A_209 : i32 to vector<1x64xi32>
    %mul3A_211 = arith.muli %select_n3A_208, %mul3A_210 : vector<1x64xi32>
    %broadcast_in_dim3A_212 = arith.constant 0 : i32
    %broadcast_in_dim3A_213 = vector.broadcast %broadcast_in_dim3A_212 : i32 to vector<1x1xi32>
    %slice3A_214 = vector.extract_strided_slice %mul3A_211 {offsets = [0, 0], sizes = [1, 63], strides = [1, 1]} : vector<1x64xi32> to vector<1x63xi32>
    %concatenate3A_215 = tpu.concatenate %broadcast_in_dim3A_213, %slice3A_214 in 1 : vector<1x1xi32>, vector<1x63xi32> -> vector<1x64xi32>
    %add3A_216 = arith.addi %mul3A_211, %concatenate3A_215 : vector<1x64xi32>
    %broadcast_in_dim3A_217 = arith.constant 0 : i32
    %broadcast_in_dim3A_218 = vector.broadcast %broadcast_in_dim3A_217 : i32 to vector<1x2xi32>
    %slice3A_219 = vector.extract_strided_slice %add3A_216 {offsets = [0, 0], sizes = [1, 62], strides = [1, 1]} : vector<1x64xi32> to vector<1x62xi32>
    %concatenate3A_220 = tpu.concatenate %broadcast_in_dim3A_218, %slice3A_219 in 1 : vector<1x2xi32>, vector<1x62xi32> -> vector<1x64xi32>
    %add3A_221 = arith.addi %add3A_216, %concatenate3A_220 : vector<1x64xi32>
    %broadcast_in_dim3A_222 = arith.constant 0 : i32
    %broadcast_in_dim3A_223 = vector.broadcast %broadcast_in_dim3A_222 : i32 to vector<1x4xi32>
    %slice3A_224 = vector.extract_strided_slice %add3A_221 {offsets = [0, 0], sizes = [1, 60], strides = [1, 1]} : vector<1x64xi32> to vector<1x60xi32>
    %concatenate3A_225 = tpu.concatenate %broadcast_in_dim3A_223, %slice3A_224 in 1 : vector<1x4xi32>, vector<1x60xi32> -> vector<1x64xi32>
    %add3A_226 = arith.addi %add3A_221, %concatenate3A_225 : vector<1x64xi32>
    %broadcast_in_dim3A_227 = arith.constant 0 : i32
    %broadcast_in_dim3A_228 = vector.broadcast %broadcast_in_dim3A_227 : i32 to vector<1x8xi32>
    %slice3A_229 = vector.extract_strided_slice %add3A_226 {offsets = [0, 0], sizes = [1, 56], strides = [1, 1]} : vector<1x64xi32> to vector<1x56xi32>
    %concatenate3A_230 = tpu.concatenate %broadcast_in_dim3A_228, %slice3A_229 in 1 : vector<1x8xi32>, vector<1x56xi32> -> vector<1x64xi32>
    %add3A_231 = arith.addi %add3A_226, %concatenate3A_230 : vector<1x64xi32>
    %broadcast_in_dim3A_232 = arith.constant 0 : i32
    %broadcast_in_dim3A_233 = vector.broadcast %broadcast_in_dim3A_232 : i32 to vector<1x16xi32>
    %slice3A_234 = vector.extract_strided_slice %add3A_231 {offsets = [0, 0], sizes = [1, 48], strides = [1, 1]} : vector<1x64xi32> to vector<1x48xi32>
    %concatenate3A_235 = tpu.concatenate %broadcast_in_dim3A_233, %slice3A_234 in 1 : vector<1x16xi32>, vector<1x48xi32> -> vector<1x64xi32>
    %add3A_236 = arith.addi %add3A_231, %concatenate3A_235 : vector<1x64xi32>
    %broadcast_in_dim3A_237 = arith.constant 0 : i32
    %broadcast_in_dim3A_238 = vector.broadcast %broadcast_in_dim3A_237 : i32 to vector<1x32xi32>
    %slice3A_239 = vector.extract_strided_slice %add3A_236 {offsets = [0, 0], sizes = [1, 32], strides = [1, 1]} : vector<1x64xi32> to vector<1x32xi32>
    %concatenate3A_240 = tpu.concatenate %broadcast_in_dim3A_238, %slice3A_239 in 1 : vector<1x32xi32>, vector<1x32xi32> -> vector<1x64xi32>
    %add3A_241 = arith.addi %add3A_236, %concatenate3A_240 : vector<1x64xi32>
    %sub3A_242 = arith.subi %add3A_241, %mul3A_211 : vector<1x64xi32>
    %mul3A_243 = vector.broadcast %sub3A_242 : vector<1x64xi32> to vector<2048x64xi32>
    %mul3A_244 = arith.muli %convert_element_type3A_168, %mul3A_243 : vector<2048x64xi32>
    %reduce_sum3A_245 = arith.constant dense<0> : vector<2048xi32>
    %reduce_sum3A_246 = vector.multi_reduction <add>, %mul3A_244, %reduce_sum3A_245 [1] : vector<2048x64xi32> to vector<2048xi32>
    %add3A_247 = arith.addi %reduce_sum3A_246, %sub3A_175 : vector<2048xi32>
    %reshape3A = vector.shape_cast %add3A_247 : vector<2048xi32> to vector<16x128xi32>
    %swap3A = arith.constant 0 : index
    %swap3A_248 = arith.constant 0 : index
    %swap3A_249 = vector.load %arg3[%swap3A, %swap3A_248] : memref<16x128xi32, #tpu.memory_space<vmem>>, vector<16x128xi32>
    tpu.vector_store %arg3[%swap3A, %swap3A_248], %reshape3A {strides = array<i32>} : memref<16x128xi32, #tpu.memory_space<vmem>>, vector<16x128xi32>,
    %iota3A_250 = tpu.iota {dimensions = array<i32: 0>} : vector<128x64xi32>
    %mul3A_251 = arith.constant 64 : i32
    %mul3A_252 = vector.broadcast %mul3A_251 : i32 to vector<128x64xi32>
    %mul3A_253 = arith.muli %iota3A_250, %mul3A_252 : vector<128x64xi32>
    %le3A = vector.broadcast %add3A_241 : vector<1x64xi32> to vector<128x64xi32>
    %le3A_254 = arith.cmpi sle, %le3A, %mul3A_253 : vector<128x64xi32>
    %convert_element_type3A_255 = arith.extui %le3A_254 : vector<128x64xi1> to vector<128x64xi32>
    %reduce_sum3A_256 = arith.constant dense<0> : vector<128xi32>
    %reduce_sum3A_257 = vector.multi_reduction <add>, %convert_element_type3A_255, %reduce_sum3A_256 [1] : vector<128x64xi32> to vector<128xi32>
    %min3A = arith.constant 63 : i32
    %min3A_258 = vector.broadcast %min3A : i32 to vector<128xi32>
    %min3A_259 = arith.minsi %reduce_sum3A_257, %min3A_258 : vector<128xi32>
    %reshape3A_260 = vector.shape_cast %min3A_259 : vector<128xi32> to vector<1x128xi32>
    %slice3A_261 = vector.extract_strided_slice %iota3A {offsets = [0, 0], sizes = [1, 64], strides = [1, 1]} : vector<2048x64xi32> to vector<1x64xi32>
    %eq3A_262 = arith.constant 63 : i32
    %eq3A_263 = vector.broadcast %eq3A_262 : i32 to vector<1x64xi32>
    %eq3A_264 = arith.cmpi eq, %slice3A_261, %eq3A_263 : vector<1x64xi32>
    %jit3A_265 = arith.constant 0 : i32
    %broadcast_in_dim3A_266 = vector.broadcast %jit3A_265 : i32 to vector<1x64xi32>
    %select_n3A_267 = arith.select %eq3A_264, %add3A_241, %broadcast_in_dim3A_266 : vector<1x64xi1>, vector<1x64xi32>
    %reduce_sum3A_268 = vector.shape_cast %select_n3A_267 : vector<1x64xi32> to vector<1x1x64xi32>
    %reduce_sum3A_269 = arith.constant dense<0> : vector<1xi32>
    %reduce_sum3A_270 = vector.multi_reduction <add>, %reduce_sum3A_268, %reduce_sum3A_269 [1, 2] : vector<1x1x64xi32> to vector<1xi32>
    %reduce_sum3A_271 = vector.shape_cast %reduce_sum3A_270 : vector<1xi32> to vector<1x1x1xi32>
    %reduce_sum3A_272 = vector.extract %reduce_sum3A_271[0, 0, 0] : i32 from vector<1x1x1xi32>
    %jit3A_273 = arith.constant 64 : i32
    %div3A_274 = arith.divsi %reduce_sum3A_272, %jit3A_273 : i32
    %sign3A_275 = arith.constant 0 : i32
    %sign3A_276 = arith.cmpi sgt, %reduce_sum3A_272, %sign3A_275 : i32
    %sign3A_277 = arith.extui %sign3A_276 : i1 to i32
    %sign3A_278 = arith.constant 0 : i32
    %sign3A_279 = arith.cmpi slt, %reduce_sum3A_272, %sign3A_278 : i32
    %sign3A_280 = arith.extui %sign3A_279 : i1 to i32
    %sign3A_281 = arith.subi %sign3A_277, %sign3A_280 : i32
    %sign3A_282 = arith.constant 0 : i32
    %sign3A_283 = arith.cmpi sgt, %jit3A_273, %sign3A_282 : i32
    %sign3A_284 = arith.extui %sign3A_283 : i1 to i32
    %sign3A_285 = arith.constant 0 : i32
    %sign3A_286 = arith.cmpi slt, %jit3A_273, %sign3A_285 : i32
    %sign3A_287 = arith.extui %sign3A_286 : i1 to i32
    %sign3A_288 = arith.subi %sign3A_284, %sign3A_287 : i32
    %ne3A_289 = arith.cmpi ne, %sign3A_281, %sign3A_288 : i32
    %rem3A_290 = arith.remsi %reduce_sum3A_272, %jit3A_273 : i32
    %ne3A_291 = arith.constant 0 : i32
    %ne3A_292 = arith.cmpi ne, %rem3A_290, %ne3A_291 : i32
    %and3A_293 = arith.andi %ne3A_289, %ne3A_292 : i1
    %sub3A_294 = arith.constant 1 : i32
    %sub3A_295 = arith.subi %div3A_274, %sub3A_294 : i32
    %select_n3A_296 = arith.select %and3A_293, %sub3A_295, %div3A_274 : i32
    %iota3A_297 = tpu.iota {dimensions = array<i32: 1>} : vector<1x128xi32>
    %slice3A_298 = vector.extract_strided_slice %reshape3A_260 {offsets = [0, 127], sizes = [1, 1], strides = [1, 1]} : vector<1x128xi32> to vector<1x1xi32>
    %slice3A_299 = vector.extract_strided_slice %reshape3A_260 {offsets = [0, 0], sizes = [1, 127], strides = [1, 1]} : vector<1x128xi32> to vector<1x127xi32>
    %concatenate3A_300 = tpu.concatenate %slice3A_298, %slice3A_299 in 1 : vector<1x1xi32>, vector<1x127xi32> -> vector<1x128xi32>
    %eq3A_301 = arith.constant 0 : i32
    %eq3A_302 = vector.broadcast %eq3A_301 : i32 to vector<1x128xi32>
    %eq3A_303 = arith.cmpi eq, %iota3A_297, %eq3A_302 : vector<1x128xi32>
    %broadcast_in_dim3A_304 = vector.broadcast %select_n3A_296 : i32 to vector<1x128xi32>
    %select_n3A_305 = arith.select %eq3A_303, %broadcast_in_dim3A_304, %concatenate3A_300 : vector<1x128xi1>, vector<1x128xi32>
    %swap3A_306 = arith.constant 0 : index
    %swap3A_307 = arith.constant 0 : index
    %swap3A_308 = vector.load %arg4[%swap3A_306, %swap3A_307] : memref<1x128xi32, #tpu.memory_space<vmem>>, vector<1x128xi32>
    tpu.vector_store %arg4[%swap3A_306, %swap3A_307], %select_n3A_305 {strides = array<i32>} : memref<1x128xi32, #tpu.memory_space<vmem>>, vector<1x128xi32>,
    return
  }
}

</mosaic_0001>

<sc_bundles>
// kernel: kernel.6.cloned.1.call-start
scs
__scs_entry_jumppad:
0x0: {  	(pc) =	sbr.rel $0x88, $3  }
0x1: {  	(tag) =	ssettag $0x0;
	lr =	simm.s32 $0x1  }
0x2: {  	[smem:$0x3F9B] =	sst lr;
	_ =	strace $0xD0000000  }
0x3: {  	_ = 	snop  }
0x4: {  	_ = 	snop  }
0x5: {  	_ = 	snop  }
0x6: {  	_ = 	snop  }
0x7: {  	_ = 	snop  }
__scs_overlays_trampoline_lowered:
0x8: {  	[smem:$0x3FAA] =	sst s0  }
0x9: {  	[smem:$0x3FAB] =	sst s1  }
0xa: {  	[smem:$0x3FAC] =	sst s2  }
0xb: {  	[smem:$0x3FAD] =	sst s3  }
0xc: {  	[smem:$0x3FAE] =	sst s4  }
0xd: {  	[smem:$0x3FAF] =	sst s5  }
0xe: {  	[smem:$0x3FB0] =	sst s6  }
0xf: {  	[smem:$0x3FB1] =	sst s7  }
0x10: {  	[smem:$0x3FB2] =	sst s8  }
0x11: {  	[smem:$0x3FB3] =	sst s9;
	s0 =	simm.s32 @!p0 $0x0  }
0x12: {  	s1 =	sld [smem:$0x3F99];
	s0 =	simm.s32 @p0 $0x1  }
0x13: {  	[smem:$0x3FB4] =	sst s0;
	s0 =	simm.s32 @!p1 $0x0  }
0x14: {  	s2 =	sld [smem:$0x3F98];
	s0 =	simm.s32 @p1 $0x1  }
0x15: {  	[smem:$0x3FB5] =	sst s0;
	s0 =	simm.s32 @!p2 $0x0  }
0x16: {  	s3 =	sld [smem:$0x3FDB];
	s0 =	simm.s32 @p2 $0x1  }
0x17: {  	s4 =	simm.s32 $0x1BF5;
	[smem:$0x3FB7] =	sst s0  }
0x18: {  	s0 =	sld [smem:$0x3F9A];
	_ =	swait.ge [sflag:s4], $0x0  }
0x19: {  	s7 =	sld [smem:$0x3F9B]  }
0x1a: {  	s8 =	sadd.s32 $0xFFFFE003, lr  }
0x1b: {  	s9 =	sadd.s32 $0xFFFFFEF7, lr;
	s5 =	simm.s32 $0xFFFFFFFF;
	p2 =	slt.u32 s8, $0xFFFFF086  }
0x1c: {  	p1 =	slt.u32 s9, $0xF7A;
	s5 =	simm.s32 @!p2 $0x0  }
0x1d: {  	s5 =	simm.s32 @p1 $0x1;
	p0 =	seq.s32 s7, s2  }
0x1e: {  	s7 =	smul.u32 @!p0 $0xF7A, s2;
	p2 =	seq.s32 @!p0 s5, $0x0  }
0x1f: {  	s9 =	smul.u32 $0xF7A, s1;
	s8 =	simm.s32 @!p0 $0x1BF5;
	p2 =	por !p2, p0  }
0x20: {  	[sflag:s8] =	ssyncset.s32 @!p0 $0xFFFFF086;
	s6 =	sadd.s32 @!p0 s3, s7;
	s7 =	simm.s32 @!p0 $0x108  }
0x21: {  	s3 =	sadd.s32 s3, s9;
	s6 =	sadd.s32 @!p0 $0x88, s6;
	s7 =	simm.s32 @p2 $0x1082  }
0x22: {  	[simem:s7], [sflag:s8] =	dma.local @!p0 [hbm:s6], $0xF7A  }
0x23: {  	s9 =	sor.u32 $0xD0000000, s2;
	s6 =	simm.s32 $0x108;
	_ =	swait.ge @!p0 [sflag:s8], $0x0  }
0x24: {  	s3 =	sadd.s32 $0x88, s3;
	s6 =	simm.s32 @!p1 $0x1082;
	[sflag:s4] =	ssyncset.s32 $0xFFFFF086  }
0x25: {  	[simem:s6], [sflag:s4] =	dma.local [hbm:s3], $0xF7A  }
0x26: {  	[smem:$0x3F9B] =	sst s1;
	(tag) =	ssettag s2;
	_ =	strace s9  }
0x27: {  	s1 =	sld [smem:$0x3FAB]  }
0x28: {  	s2 =	sld [smem:$0x3FAC]  }
0x29: {  	s4 =	sld [smem:$0x3FAE]  }
0x2a: {  	p0 =	seq.s32 s5, $0x0;
	s5 =	sld [smem:$0x3FAF]  }
0x2b: {  	s6 =	sld [smem:$0x3FB0]  }
0x2c: {  	s7 =	sld [smem:$0x3FB1]  }
0x2d: {  	s3 =	simm.s32 $0x108;
	s8 =	sld [smem:$0x3FB2]  }
0x2e: {  	s3 =	simm.s32 @!p0 $0x1082;
	s9 =	sld [smem:$0x3FB3]  }
0x2f: {  	lr =	sadd.s32 s0, s3;
	s0 =	sld [smem:$0x3FAA]  }
0x30: {  	s3 =	sld [smem:$0x3FAD]  }
0x31: {  	[smem:$0x3FB6] =	sst s10  }
0x32: {  	s10 =	sld [smem:$0x3FB4];
	_ =	sdelay $0x3  }
0x33: {  	p0 =	seq.s32 s10, $0x1;
	s10 =	sld [smem:$0x3FB6];
	_ =	sdelay $0x3  }
0x34: {  	[smem:$0x3FB6] =	sst s10  }
0x35: {  	s10 =	sld [smem:$0x3FB5];
	_ =	sdelay $0x3  }
0x36: {  	p1 =	seq.s32 s10, $0x1;
	s10 =	sld [smem:$0x3FB6];
	_ =	sdelay $0x3  }
0x37: {  	[smem:$0x3FB6] =	sst s10  }
0x38: {  	s10 =	sld [smem:$0x3FB7]  }
0x39: {  	_ = 	snop;
	(pc) =	sbr.ind lr, $3  }
0x3a: {  	_ = 	snop  }
0x3b: {  	_ = 	snop  }
0x3c: {  	p2 =	seq.s32 s10, $0x1;
	s10 =	sld [smem:$0x3FB6]  }
0x3d: {  	_ =	shalt  }
0x3e: {  	_ =	shalt  }
0x3f: {  	_ =	shalt  }
0x40: {  	_ =	shalt  }
0x41: {  	_ =	shalt  }
0x42: {  	_ =	shalt  }
0x43: {  	_ =	shalt  }
0x44: {  	_ =	shalt  }
0x45: {  	_ =	shalt  }
0x46: {  	_ =	shalt  }
0x47: {  	_ =	shalt  }
0x48: {  	_ =	shalt  }
0x49: {  	_ =	shalt  }
0x4a: {  	_ =	shalt  }
0x4b: {  	_ =	shalt  }
0x4c: {  	_ =	shalt  }
0x4d: {  	_ =	shalt  }
0x4e: {  	_ =	shalt  }
0x4f: {  	_ =	shalt  }
0x50: {  	_ =	shalt  }
0x51: {  	_ =	shalt  }
0x52: {  	_ =	shalt  }
0x53: {  	_ =	shalt  }
0x54: {  	_ =	shalt  }
0x55: {  	_ =	shalt  }
0x56: {  	_ =	shalt  }
0x57: {  	_ =	shalt  }
0x58: {  	_ =	shalt  }
0x59: {  	_ =	shalt  }
0x5a: {  	_ =	shalt  }
0x5b: {  	_ =	shalt  }
0x5c: {  	_ =	shalt  }
0x5d: {  	_ =	shalt  }
0x5e: {  	_ =	shalt  }
0x5f: {  	_ =	shalt  }
0x60: {  	_ =	shalt  }
0x61: {  	_ =	shalt  }
0x62: {  	_ =	shalt  }
0x63: {  	_ =	shalt  }
0x64: {  	_ =	shalt  }
0x65: {  	_ =	shalt  }
0x66: {  	_ =	shalt  }
0x67: {  	_ =	shalt  }
0x68: {  	_ =	shalt  }
0x69: {  	_ =	shalt  }
0x6a: {  	_ =	shalt  }
0x6b: {  	_ =	shalt  }
0x6c: {  	_ =	shalt  }
0x6d: {  	_ =	shalt  }
0x6e: {  	_ =	shalt  }
0x6f: {  	_ =	shalt  }
0x70: {  	_ =	shalt  }
0x71: {  	_ =	shalt  }
0x72: {  	_ =	shalt  }
0x73: {  	_ =	shalt  }
0x74: {  	_ =	shalt  }
0x75: {  	_ =	shalt  }
0x76: {  	_ =	shalt  }
0x77: {  	_ =	shalt  }
0x78: {  	_ =	shalt  }
0x79: {  	_ =	shalt  }
0x7a: {  	_ =	shalt  }
0x7b: {  	_ =	shalt  }
0x7c: {  	_ =	shalt  }
0x7d: {  	_ =	shalt  }
0x7e: {  	_ =	shalt  }
0x7f: {  	_ =	shalt  }
0x80: {  	_ =	shalt  }
0x81: {  	_ =	shalt  }
0x82: {  	_ =	shalt  }
0x83: {  	_ =	shalt  }
0x84: {  	_ =	shalt  }
0x85: {  	_ =	shalt  }
0x86: {  	_ =	shalt  }
0x87: {  	_ =	shalt  }
.Lfunc_end0:
.L_simem_size_0:
called_computation_lowered:
.L_overlay_start_0:
0x88: {  	s2 =	sld [smem:$0x3FD9]  }
0x89: {  	s3 =	sld [smem:$0x3FFE];
	_ =	sdelay $0x1  }
0x8a: {  	s1 =	srdreg.scid  }
0x8b: {  	s0 =	sand.u32 $0x1, s1  }
0x8c: {  	s17 =	sshll.u32 s0, $0xA;
	s2 =	sadd.s32 s3, s2  }
0x8d: {  	s2 =	sadd.s32 s2, s17  }
0x8e: {  	[smem:$0x3FC2] =	sst s2  }
0x8f: {  	_ = 	snop  }
0x90: {  	s2 =	sld [smem:$0x3FC9];
	(tm) =	ssettm $0x1  }
0x91: {  	s18 =	sld [smem:$0x3FFB];
	_ =	sdelay $0x3  }
0x92: {  	_ =	strace s18  }
0x93: {  	s3 =	sld [smem:$0x3FFC];
	_ =	sdelay $0x3  }
0x94: {  	_ =	strace s3  }
0x95: {  	s3 =	sld [smem:$0x3FFD];
	_ =	sdelay $0x3  }
0x96: {  	_ =	strace s3  }
0x97: {  	_ =	strace $0x8FFFFFFF  }
0x98: {  	s19 =	sld [smem:$0x3FDB];
	_ =	sdelay $0x1  }
0x99: {  	s4 =	simm.s32 $_scs_section_size  }
0x9a: {  	s5 =	simm.s32 $_size__tile_overlayer_lowered;
	s6 =	simm.s32 $_tile_overlayer_lowered  }
0x9b: {  	s22 =	simm.s32 $0x1BFF;
	s21 =	sshll.u32 s6, $0x1;
	s3 =	sadd.s32 s4, s19  }
0x9c: {  	s7 =	simm.s32 $0x0;
	s20 =	sshll.u32 s5, $0x1;
	s5 =	sadd.s32 s21, s3  }
0x9d: {  	[timem:s7], [sflag:s22] =	dma.local [hbm:s5], s20  }
0x9e: {  	_ =	swait.ge [sflag:s22], s20  }
0x9f: {  	s4 =	ssub.s32 $0x0, s20;
	[sflag:s22] =	ssyncset.done $0x0  }
0xa0: {  	[sflag:s22] =	ssyncadd.s32 s4;
	_ =	sdelay $0x1  }
0xa1: {  	s23 =	simm.s32 $0x1B8B  }
0xa2: {  	_ =	swait.ge [sflag:s23], $0x1  }
0xa3: {  	[sflag:s23] =	ssyncset.done $0x0  }
0xa4: {  	s25 =	simm.s32 $0x1B8E;
	s24 =	sld [smem:$0x3FFE];
	[sflag:s23] =	ssyncadd.s32 $0xFFFFFFFF  }
0xa5: {  	s26 =	simm.s32 $execute0_lowered;
	[smem:$0x3FD2] =	sst s25  }
0xa6: {  	s5 =	sshll.u32 s26, $0x1;
	_ =	strace $0x80000046;
	[dreg:$0x1] =	wrdreg $0xFFFFFFFF  }
0xa7: {  	s28 =	simm.s32 $_size_execute0_lowered;
	s3 =	sadd.s32 s3, s5;
	[dreg:$0x0] =	wrdreg $0x0  }
0xa8: {  	s5 =	sshll.u32 s28, $0x1;
	[dreg:$0x2] =	wrdreg s3  }
0xa9: {  	[dreg:$0x3] =	wrdreg s5  }
0xaa: {  	[dreg:$0x4] =	wrdreg $0xC0  }
0xab: {  	_ =	task [dreg:s7], $0x5FFFF  }
0xac: {  	[dreg:$0x1] =	wrdreg $0xFFFFFFFF  }
0xad: {  	[dreg:$0x0] =	wrdreg $0x60  }
0xae: {  	[dreg:$0x2] =	wrdreg s2  }
0xaf: {  	[dreg:$0x3] =	wrdreg s24  }
0xb0: {  	[dreg:$0x4] =	wrdreg $0x9  }
0xb1: {  	_ =	task.clear_ibuf [dreg:s7], $0x5FFFF;
	_ =	strace $0x90000046  }
0xb2: {  	s29 =	simm.s32 $0x9;
	_ =	strace $0x80000048  }
0xb3: {  	_ =	swait.ge [sflag:s29], $0x1  }
0xb4: {  	[sflag:s29] =	ssyncadd.s32 $0xFFFFFFFF  }
0xb5: {  	_ =	strace $0x90000048  }
0xb6: {  	_ =	sfence  }
0xb7: {  	s30 =	sld [smem:$0x0];
	_ =	sdelay $0x2  }
0xb8: {  	s31 =	sshll.u32 s1, $0xD;
	s1 =	sshrl.u32 s1, $0x2  }
0xb9: {  	s3 =	sand.u32 $0x4000, s31;
	s1 =	sadd.s32 s1, s30  }
0xba: {  	s0 =	sor.u32 s3, s0;
	s1 =	sshll.u32 s1, $0x11  }
0xbb: {  	s0 =	sor.u32 s1, s0  }
0xbc: {  	s0 =	sadd.s32 $0x8F2B, s0  }
0xbd: {  	[sflag:s0] =	ssyncadd.remote.s32 $0x1  }
0xbe: {  	_ =	sfence.sel $0xFFFF  }
0xbf: {  	[dreg:$0x0] =	wrdreg $0xFFFFFFFF;
	(pc) =	sbr.abs _section_cstart, $3  }
0xc0: {  	[dreg:$0x1] =	wrdreg $0xFFFFFFFF  }
0xc1: {  	_ =	task.clear_ibuf [dreg:s7], $0x2FFFF;
	_ =	strace $0x9FFFFFFF  }
0xc2: {  	(tm) =	ssettm $0x7FFFFFFF  }
0xc3: {  	_ =	shalt  }
tec
execute0_lowered:
.L_overlay_start_1:
0x0: {  	(tag) =	ssettag $0x1  }
0x1: {  	s1 =	srdreg.scid  }
0x2: {  	s3 =	rddreg [dreg:$0x0];
	s0 =	stileid.u32  }
0x3: {  	s5 =	rddreg [dreg:$0x1];
	s2 =	simm.s32 $0x0;
	s7 =	simm.s32 $0x80  }
0x4: {  	s8 =	simm.s32 $0x2;
	s26 =	simm.s32 $0x880;
	s9 =	simm.s32 $0x1080  }
0x5: {  	s10 =	simm.s32 $0x1880;
	s11 =	simm.s32 $0x2080;
	s12 =	simm.s32 $0x2880  }
0x6: {  	s13 =	simm.s32 $0x3080;
	s14 =	simm.s32 $0x3880;
	s15 =	simm.s32 $0x4080  }
0x7: {  	s16 =	simm.s32 $0x4880;
	s17 =	simm.s32 $0x5080;
	s18 =	simm.s32 $0x5880  }
0x8: {  	s19 =	simm.s32 $0x6080;
	s20 =	simm.s32 $0x6880;
	s21 =	simm.s32 $0x7080  }
0x9: {  	s22 =	simm.s32 $0x7880;
	s23 =	simm.s32 $0x8080;
	s24 =	simm.s32 $0x8880  }
0xa: {  	s28 =	simm.s32 $0xA080;
	s29 =	simm.s32 $0xA880;
	s30 =	simm.s32 $0xB080  }
0xb: {  	s31 =	simm.s32 $0xB880;
	s1 =	sand.u32 $0x1, s1;
	[smem:$0x7FF] =	sst s2  }
0xc: {  	s4 =	sshll.u32 s0, $0x4;
	s6 =	sshll.u32 s1, $0x3;
	_ =	strace $0x80000047  }
0xd: {  	s1 =	ssub.s32 $0x2, s1;
	[dreg:$0x5] =	wrdreg s26;
	s4 =	sor.u32 s6, s4  }
0xe: {  	s25 =	sshrl.u32 s1, $0x1;
	s6 =	smul.u32 $0x300, s4;
	s4 =	sadd.s32 s4, s5  }
0xf: {  	s26 =	simm.s32 $0x9880;
	s1 =	ssub.s32 s1, s25;
	s4 =	sadd.s32 $0x1C00, s4  }
0x10: {  	v2 =	vlaneseq.u32;
	s25 =	simm.s32 $0x9080;
	s3 =	sadd.s32 s3, s6;
	[dreg:$0x4] =	wrdreg s4  }
0x11: {  	vm0 =	vmmov $0xffff;
	v1 =	vshrl.u32 v2, $0x3;
	s4 =	sadd.s32 $0x1F00, s5;
	s6 =	smax.u32 s1, $0x1;
	s1 =	simm.s32 $0x1  }
0x12: {  	v0 =	vand.u32 $0x7, v2;
	v2 =	vor.u32 $0x8, v2;
	v1 =	vmul.u32 $0x8, v1;
	[dreg:$0x3] =	wrdreg s3;
	s3 =	sadd.s32 $0x1E00, s5;
	s5 =	sadd.s32 $0x2000, s5  }
.LBB2_1:
0x13: {  	s0 =	rddreg [dreg:$0x3]  }
0x14: {  	[tilespmem:s7], [sflag:$0x2] =	stream.linear.gather [hbm4b:s0+s2], $0xC000, $0x38;
	[tilespmem:$0xC080] =	vst v63  }
0x15: {  	_ =	swait.ge [sflag:s8], $0xC000  }
0x16: {  	[sflag:s8] =	ssyncset.done $0x0  }
0x17: {  	s0 =	rddreg [dreg:$0x4];
	[sflag:s8] =	ssyncadd.s32 $0xFFFF4000  }
0x18: {  	[tilespmem:s2], [sflag:$0x2] =	stream.linear.gather [hbm4b:s0+s2], $0x40, $0x38;
	[tilespmem:$0xC080] =	vst v63  }
0x19: {  	_ =	swait.ge [sflag:s8], $0x40  }
0x1a: {  	[sflag:s8] =	ssyncset.done $0x0  }
0x1b: {  	[sflag:s8] =	ssyncadd.s32 $0xFFFFFFC0  }
0x1c: {  	v3 =	vld [tilespmem:$0x0];
	_ =	sdelay $0x4  }
0x1d: {  	v4 =	vshrl.u32 v3, $0x3  }
0x1e: {  	v4 =	vmul.u32 $0x30, v4  }
0x1f: {  	v3 =	vand.u32 $0x7, v3  }
0x20: {  	v3 =	vor.u32 v3, v4  }
0x21: {  	v4 =	vperm.xlane v3, v0;
	_ =	sdelay $0x1  }
0x22: {  	v4 =	vadd.s32 v1, v4;
	_ =	sdelay $0x3  }
0x23: {  	v3 =	vperm.xlane v3, v2  }
0x24: {  	[hbm4b:s3+s2] =	stream.indirect_vreg.scatter [tilespmem:s7], [sflag:$0x1], $0x80, v4, vm0, $0xb8;
	[tilespmem:$0xC080] =	vst v63  }
0x25: {  	s0 =	rddreg [dreg:$0x5];
	v3 =	vadd.s32 v1, v3  }
0x26: {  	[hbm4b:s4+s2] =	stream.indirect_vreg.scatter [tilespmem:s0], [sflag:$0x1], $0x80, v4, vm0, $0xb8;
	[tilespmem:$0xC080] =	vst v63  }
0x27: {  	_ = 	snop  }
0x28: {  	[hbm4b:s5+s2] =	stream.indirect_vreg.scatter [tilespmem:s9], [sflag:$0x1], $0x80, v4, vm0, $0xb8;
	[tilespmem:$0xC080] =	vst v63  }
0x29: {  	_ = 	snop  }
0x2a: {  	[hbm4b:s3+s2] =	stream.indirect_vreg.scatter [tilespmem:s10], [sflag:$0x1], $0x80, v3, vm0, $0xb8;
	[tilespmem:$0xC080] =	vst v63  }
0x2b: {  	_ = 	snop  }
0x2c: {  	[hbm4b:s4+s2] =	stream.indirect_vreg.scatter [tilespmem:s11], [sflag:$0x1], $0x80, v3, vm0, $0xb8;
	[tilespmem:$0xC080] =	vst v63  }
0x2d: {  	_ = 	snop  }
0x2e: {  	[hbm4b:s5+s2] =	stream.indirect_vreg.scatter [tilespmem:s12], [sflag:$0x1], $0x80, v3, vm0, $0xb8;
	[tilespmem:$0xC080] =	vst v63  }
0x2f: {  	v3 =	vld [tilespmem:$0x10];
	_ =	sdelay $0x4  }
0x30: {  	v61 =	vshrl.u32 v3, $0x3  }
0x31: {  	v4 =	vmul.u32 $0x30, v61  }
0x32: {  	v3 =	vand.u32 $0x7, v3  }
0x33: {  	v3 =	vor.u32 v3, v4  }
0x34: {  	v4 =	vperm.xlane v3, v0;
	_ =	sdelay $0x1  }
0x35: {  	v4 =	vadd.s32 v1, v4;
	_ =	sdelay $0x3  }
0x36: {  	v3 =	vperm.xlane v3, v2  }
0x37: {  	[hbm4b:s3+s2] =	stream.indirect_vreg.scatter [tilespmem:s13], [sflag:$0x1], $0x80, v4, vm0, $0xb8;
	[tilespmem:$0xC080] =	vst v63  }
0x38: {  	v3 =	vadd.s32 v1, v3  }
0x39: {  	[hbm4b:s4+s2] =	stream.indirect_vreg.scatter [tilespmem:s14], [sflag:$0x1], $0x80, v4, vm0, $0xb8;
	[tilespmem:$0xC080] =	vst v63  }
0x3a: {  	_ = 	snop  }
0x3b: {  	[hbm4b:s5+s2] =	stream.indirect_vreg.scatter [tilespmem:s15], [sflag:$0x1], $0x80, v4, vm0, $0xb8;
	[tilespmem:$0xC080] =	vst v63  }
0x3c: {  	_ = 	snop  }
0x3d: {  	[hbm4b:s3+s2] =	stream.indirect_vreg.scatter [tilespmem:s16], [sflag:$0x1], $0x80, v3, vm0, $0xb8;
	[tilespmem:$0xC080] =	vst v63  }
0x3e: {  	_ = 	snop  }
0x3f: {  	[hbm4b:s4+s2] =	stream.indirect_vreg.scatter [tilespmem:s17], [sflag:$0x1], $0x80, v3, vm0, $0xb8;
	[tilespmem:$0xC080] =	vst v63  }
0x40: {  	_ = 	snop  }
0x41: {  	[hbm4b:s5+s2] =	stream.indirect_vreg.scatter [tilespmem:s18], [sflag:$0x1], $0x80, v3, vm0, $0xb8;
	[tilespmem:$0xC080] =	vst v63  }
0x42: {  	v3 =	vld [tilespmem:$0x20];
	_ =	sdelay $0x4  }
0x43: {  	v62 =	vshrl.u32 v3, $0x3  }
0x44: {  	v4 =	vmul.u32 $0x30, v62  }
0x45: {  	v3 =	vand.u32 $0x7, v3  }
0x46: {  	v3 =	vor.u32 v3, v4  }
0x47: {  	v4 =	vperm.xlane v3, v0;
	_ =	sdelay $0x1  }
0x48: {  	v4 =	vadd.s32 v1, v4;
	_ =	sdelay $0x3  }
0x49: {  	v3 =	vperm.xlane v3, v2  }
0x4a: {  	[hbm4b:s3+s2] =	stream.indirect_vreg.scatter [tilespmem:s19], [sflag:$0x1], $0x80, v4, vm0, $0xb8;
	[tilespmem:$0xC080] =	vst v63  }
0x4b: {  	v3 =	vadd.s32 v1, v3  }
0x4c: {  	[hbm4b:s4+s2] =	stream.indirect_vreg.scatter [tilespmem:s20], [sflag:$0x1], $0x80, v4, vm0, $0xb8;
	[tilespmem:$0xC080] =	vst v63  }
0x4d: {  	_ = 	snop  }
0x4e: {  	[hbm4b:s5+s2] =	stream.indirect_vreg.scatter [tilespmem:s21], [sflag:$0x1], $0x80, v4, vm0, $0xb8;
	[tilespmem:$0xC080] =	vst v63  }
0x4f: {  	_ = 	snop  }
0x50: {  	[hbm4b:s3+s2] =	stream.indirect_vreg.scatter [tilespmem:s22], [sflag:$0x1], $0x80, v3, vm0, $0xb8;
	[tilespmem:$0xC080] =	vst v63  }
0x51: {  	_ = 	snop  }
0x52: {  	[hbm4b:s4+s2] =	stream.indirect_vreg.scatter [tilespmem:s23], [sflag:$0x1], $0x80, v3, vm0, $0xb8;
	[tilespmem:$0xC080] =	vst v63  }
0x53: {  	_ = 	snop  }
0x54: {  	[hbm4b:s5+s2] =	stream.indirect_vreg.scatter [tilespmem:s24], [sflag:$0x1], $0x80, v3, vm0, $0xb8;
	[tilespmem:$0xC080] =	vst v63  }
0x55: {  	v3 =	vld [tilespmem:$0x30];
	_ =	sdelay $0x4  }
0x56: {  	v63 =	vshrl.u32 v3, $0x3  }
0x57: {  	v4 =	vmul.u32 $0x30, v63  }
0x58: {  	v3 =	vand.u32 $0x7, v3  }
0x59: {  	v3 =	vor.u32 v3, v4  }
0x5a: {  	v4 =	vperm.xlane v3, v0;
	_ =	sdelay $0x1  }
0x5b: {  	v4 =	vadd.s32 v1, v4;
	_ =	sdelay $0x3  }
0x5c: {  	v3 =	vperm.xlane v3, v2  }
0x5d: {  	[hbm4b:s3+s2] =	stream.indirect_vreg.scatter [tilespmem:s25], [sflag:$0x1], $0x80, v4, vm0, $0xb8;
	[tilespmem:$0xC080] =	vst v63  }
0x5e: {  	v3 =	vadd.s32 v1, v3  }
0x5f: {  	[hbm4b:s4+s2] =	stream.indirect_vreg.scatter [tilespmem:s26], [sflag:$0x1], $0x80, v4, vm0, $0xb8;
	[tilespmem:$0xC080] =	vst v63  }
0x60: {  	_ = 	snop  }
0x61: {  	[hbm4b:s5+s2] =	stream.indirect_vreg.scatter [tilespmem:s28], [sflag:$0x1], $0x80, v4, vm0, $0xb8;
	[tilespmem:$0xC080] =	vst v63  }
0x62: {  	_ = 	snop  }
0x63: {  	[hbm4b:s3+s2] =	stream.indirect_vreg.scatter [tilespmem:s29], [sflag:$0x1], $0x80, v3, vm0, $0xb8;
	[tilespmem:$0xC080] =	vst v63  }
0x64: {  	p0 =	sne.s32 s6, $0x1  }
0x65: {  	[hbm4b:s4+s2] =	stream.indirect_vreg.scatter [tilespmem:s30], [sflag:$0x1], $0x80, v3, vm0, $0xb8;
	[tilespmem:$0xC080] =	vst v63  }
.Ltmp0:
0x66: {  	_ = 	snop;
	(pc) =	sbr.rel @p0 .LBB2_1-.Ltmp0, $4  }
0x67: {  	[hbm4b:s5+s2] =	stream.indirect_vreg.scatter [tilespmem:s31], [sflag:$0x1], $0x80, v3, vm0, $0xb8;
	[tilespmem:$0xC080] =	vst v63  }
0x68: {  	_ =	swait.ge [sflag:s1], $0xC000  }
0x69: {  	[sflag:s1] =	ssyncset.done $0x0  }
0x6a: {  	s6 =	sadd.s32 $0xFFFFFFFF, s6;
	[sflag:s1] =	ssyncadd.s32 $0xFFFF4000  }
0x6b: {  	_ =	sfence.sel $0x180000  }
0x6c: {  	[bflag:$0x0] =	sbarrier.arrive $0xFFFF  }
0x6d: {  	_ =	strace $0x90000047  }
0x6e: {  	s0 =	stileid.u32;
	[bflag:$0x2] =	sbarrier.arrive $0xFFFF  }
0x6f: {  	p0 =	sne.s32 s0, $0x0;
	s0 =	rddreg [dreg:$0x2]  }
0x70: {  	s0 =	sadd.s32 @!p0 $0x100000, s0  }
0x71: {  	[sflag:s0] =	ssyncadd.tile.s32 @!p0 $0x1;
	_ =	shalt  }
.Lfunc_end2:
_tile_overlayer_lowered:
.L_overlay_start_2:
0x72: {  	(tag) =	ssettag $0x2  }
0x73: {  	s0 =	rddreg [dreg:$0x0];
	s2 =	stileid.u32  }
0x74: {  	s1 =	rddreg [dreg:$0x1];
	p0 =	sne.s32 s2, $0x0  }
0x75: {  	s3 =	rddreg [dreg:$0x2];
	[bflag:$0x3] =	sbarrier.arrive $0xFFFF;
	s2 =	simm.s32 @!p0 $0x1C02  }
0x76: {  	[timem:s3], [sflag:s2] =	dma.local @!p0 [hbm:s0], s1  }
0x77: {  	s0 =	simm.s32 @!p0 $0x2  }
0x78: {  	_ =	swait.ge @!p0 [sflag:s0], s1  }
0x79: {  	s1 =	ssub.s32 @!p0 $0x0, s1;
	[sflag:s0] =	ssyncset.done @!p0 $0x0  }
0x7a: {  	[sflag:s0] =	ssyncadd.s32 @!p0 s1  }
0x7b: {  	[bflag:$0x3] =	sbarrier.arrive $0xFFFF  }
0x7c: {  	_ =	shalt  }

// kernel: kernel.9.cloned.1.call-start
scs
__scs_entry_jumppad:
0x0: {  	(pc) =	sbr.rel $0x88, $3  }
0x1: {  	(tag) =	ssettag $0x0;
	lr =	simm.s32 $0x1  }
0x2: {  	[smem:$0x3F9B] =	sst lr;
	_ =	strace $0xD0000000  }
0x3: {  	_ = 	snop  }
0x4: {  	_ = 	snop  }
0x5: {  	_ = 	snop  }
0x6: {  	_ = 	snop  }
0x7: {  	_ = 	snop  }
__scs_overlays_trampoline_lowered:
0x8: {  	[smem:$0x3FAA] =	sst s0  }
0x9: {  	[smem:$0x3FAB] =	sst s1  }
0xa: {  	[smem:$0x3FAC] =	sst s2  }
0xb: {  	[smem:$0x3FAD] =	sst s3  }
0xc: {  	[smem:$0x3FAE] =	sst s4  }
0xd: {  	[smem:$0x3FAF] =	sst s5  }
0xe: {  	[smem:$0x3FB0] =	sst s6  }
0xf: {  	[smem:$0x3FB1] =	sst s7  }
0x10: {  	[smem:$0x3FB2] =	sst s8  }
0x11: {  	[smem:$0x3FB3] =	sst s9;
	s0 =	simm.s32 @!p0 $0x0  }
0x12: {  	s1 =	sld [smem:$0x3F99];
	s0 =	simm.s32 @p0 $0x1  }
0x13: {  	[smem:$0x3FB4] =	sst s0;
	s0 =	simm.s32 @!p1 $0x0  }
0x14: {  	s2 =	sld [smem:$0x3F98];
	s0 =	simm.s32 @p1 $0x1  }
0x15: {  	[smem:$0x3FB5] =	sst s0;
	s0 =	simm.s32 @!p2 $0x0  }
0x16: {  	s3 =	sld [smem:$0x3FDB];
	s0 =	simm.s32 @p2 $0x1  }
0x17: {  	s4 =	simm.s32 $0x1BF5;
	[smem:$0x3FB7] =	sst s0  }
0x18: {  	s0 =	sld [smem:$0x3F9A];
	_ =	swait.ge [sflag:s4], $0x0  }
0x19: {  	s7 =	sld [smem:$0x3F9B]  }
0x1a: {  	s8 =	sadd.s32 $0xFFFFE003, lr  }
0x1b: {  	s9 =	sadd.s32 $0xFFFFFEF7, lr;
	s5 =	simm.s32 $0xFFFFFFFF;
	p2 =	slt.u32 s8, $0xFFFFF086  }
0x1c: {  	p1 =	slt.u32 s9, $0xF7A;
	s5 =	simm.s32 @!p2 $0x0  }
0x1d: {  	s5 =	simm.s32 @p1 $0x1;
	p0 =	seq.s32 s7, s2  }
0x1e: {  	s7 =	smul.u32 @!p0 $0xF7A, s2;
	p2 =	seq.s32 @!p0 s5, $0x0  }
0x1f: {  	s9 =	smul.u32 $0xF7A, s1;
	s8 =	simm.s32 @!p0 $0x1BF5;
	p2 =	por !p2, p0  }
0x20: {  	[sflag:s8] =	ssyncset.s32 @!p0 $0xFFFFF086;
	s6 =	sadd.s32 @!p0 s3, s7;
	s7 =	simm.s32 @!p0 $0x108  }
0x21: {  	s3 =	sadd.s32 s3, s9;
	s6 =	sadd.s32 @!p0 $0x88, s6;
	s7 =	simm.s32 @p2 $0x1082  }
0x22: {  	[simem:s7], [sflag:s8] =	dma.local @!p0 [hbm:s6], $0xF7A  }
0x23: {  	s9 =	sor.u32 $0xD0000000, s2;
	s6 =	simm.s32 $0x108;
	_ =	swait.ge @!p0 [sflag:s8], $0x0  }
0x24: {  	s3 =	sadd.s32 $0x88, s3;
	s6 =	simm.s32 @!p1 $0x1082;
	[sflag:s4] =	ssyncset.s32 $0xFFFFF086  }
0x25: {  	[simem:s6], [sflag:s4] =	dma.local [hbm:s3], $0xF7A  }
0x26: {  	[smem:$0x3F9B] =	sst s1;
	(tag) =	ssettag s2;
	_ =	strace s9  }
0x27: {  	s1 =	sld [smem:$0x3FAB]  }
0x28: {  	s2 =	sld [smem:$0x3FAC]  }
0x29: {  	s4 =	sld [smem:$0x3FAE]  }
0x2a: {  	p0 =	seq.s32 s5, $0x0;
	s5 =	sld [smem:$0x3FAF]  }
0x2b: {  	s6 =	sld [smem:$0x3FB0]  }
0x2c: {  	s7 =	sld [smem:$0x3FB1]  }
0x2d: {  	s3 =	simm.s32 $0x108;
	s8 =	sld [smem:$0x3FB2]  }
0x2e: {  	s3 =	simm.s32 @!p0 $0x1082;
	s9 =	sld [smem:$0x3FB3]  }
0x2f: {  	lr =	sadd.s32 s0, s3;
	s0 =	sld [smem:$0x3FAA]  }
0x30: {  	s3 =	sld [smem:$0x3FAD]  }
0x31: {  	[smem:$0x3FB6] =	sst s10  }
0x32: {  	s10 =	sld [smem:$0x3FB4];
	_ =	sdelay $0x3  }
0x33: {  	p0 =	seq.s32 s10, $0x1;
	s10 =	sld [smem:$0x3FB6];
	_ =	sdelay $0x3  }
0x34: {  	[smem:$0x3FB6] =	sst s10  }
0x35: {  	s10 =	sld [smem:$0x3FB5];
	_ =	sdelay $0x3  }
0x36: {  	p1 =	seq.s32 s10, $0x1;
	s10 =	sld [smem:$0x3FB6];
	_ =	sdelay $0x3  }
0x37: {  	[smem:$0x3FB6] =	sst s10  }
0x38: {  	s10 =	sld [smem:$0x3FB7]  }
0x39: {  	_ = 	snop;
	(pc) =	sbr.ind lr, $3  }
0x3a: {  	_ = 	snop  }
0x3b: {  	_ = 	snop  }
0x3c: {  	p2 =	seq.s32 s10, $0x1;
	s10 =	sld [smem:$0x3FB6]  }
0x3d: {  	_ =	shalt  }
0x3e: {  	_ =	shalt  }
0x3f: {  	_ =	shalt  }
0x40: {  	_ =	shalt  }
0x41: {  	_ =	shalt  }
0x42: {  	_ =	shalt  }
0x43: {  	_ =	shalt  }
0x44: {  	_ =	shalt  }
0x45: {  	_ =	shalt  }
0x46: {  	_ =	shalt  }
0x47: {  	_ =	shalt  }
0x48: {  	_ =	shalt  }
0x49: {  	_ =	shalt  }
0x4a: {  	_ =	shalt  }
0x4b: {  	_ =	shalt  }
0x4c: {  	_ =	shalt  }
0x4d: {  	_ =	shalt  }
0x4e: {  	_ =	shalt  }
0x4f: {  	_ =	shalt  }
0x50: {  	_ =	shalt  }
0x51: {  	_ =	shalt  }
0x52: {  	_ =	shalt  }
0x53: {  	_ =	shalt  }
0x54: {  	_ =	shalt  }
0x55: {  	_ =	shalt  }
0x56: {  	_ =	shalt  }
0x57: {  	_ =	shalt  }
0x58: {  	_ =	shalt  }
0x59: {  	_ =	shalt  }
0x5a: {  	_ =	shalt  }
0x5b: {  	_ =	shalt  }
0x5c: {  	_ =	shalt  }
0x5d: {  	_ =	shalt  }
0x5e: {  	_ =	shalt  }
0x5f: {  	_ =	shalt  }
0x60: {  	_ =	shalt  }
0x61: {  	_ =	shalt  }
0x62: {  	_ =	shalt  }
0x63: {  	_ =	shalt  }
0x64: {  	_ =	shalt  }
0x65: {  	_ =	shalt  }
0x66: {  	_ =	shalt  }
0x67: {  	_ =	shalt  }
0x68: {  	_ =	shalt  }
0x69: {  	_ =	shalt  }
0x6a: {  	_ =	shalt  }
0x6b: {  	_ =	shalt  }
0x6c: {  	_ =	shalt  }
0x6d: {  	_ =	shalt  }
0x6e: {  	_ =	shalt  }
0x6f: {  	_ =	shalt  }
0x70: {  	_ =	shalt  }
0x71: {  	_ =	shalt  }
0x72: {  	_ =	shalt  }
0x73: {  	_ =	shalt  }
0x74: {  	_ =	shalt  }
0x75: {  	_ =	shalt  }
0x76: {  	_ =	shalt  }
0x77: {  	_ =	shalt  }
0x78: {  	_ =	shalt  }
0x79: {  	_ =	shalt  }
0x7a: {  	_ =	shalt  }
0x7b: {  	_ =	shalt  }
0x7c: {  	_ =	shalt  }
0x7d: {  	_ =	shalt  }
0x7e: {  	_ =	shalt  }
0x7f: {  	_ =	shalt  }
0x80: {  	_ =	shalt  }
0x81: {  	_ =	shalt  }
0x82: {  	_ =	shalt  }
0x83: {  	_ =	shalt  }
0x84: {  	_ =	shalt  }
0x85: {  	_ =	shalt  }
0x86: {  	_ =	shalt  }
0x87: {  	_ =	shalt  }
.Lfunc_end0:
.L_simem_size_0:
called_computation.1_lowered:
.L_overlay_start_0:
0x88: {  	s2 =	sld [smem:$0x3FD9]  }
0x89: {  	s3 =	sld [smem:$0x3FFE];
	_ =	sdelay $0x1  }
0x8a: {  	s1 =	srdreg.scid  }
0x8b: {  	s0 =	sand.u32 $0x1, s1  }
0x8c: {  	s17 =	sshll.u32 s0, $0xA;
	s2 =	sadd.s32 s3, s2  }
0x8d: {  	s2 =	sadd.s32 s2, s17  }
0x8e: {  	[smem:$0x3FC2] =	sst s2  }
0x8f: {  	_ = 	snop  }
0x90: {  	s2 =	sld [smem:$0x3FD0];
	(tm) =	ssettm $0x1  }
0x91: {  	s18 =	sld [smem:$0x3FFB];
	_ =	sdelay $0x3  }
0x92: {  	_ =	strace s18  }
0x93: {  	s3 =	sld [smem:$0x3FFC];
	_ =	sdelay $0x3  }
0x94: {  	_ =	strace s3  }
0x95: {  	s3 =	sld [smem:$0x3FFD];
	_ =	sdelay $0x3  }
0x96: {  	_ =	strace s3  }
0x97: {  	_ =	strace $0x8FFFFFFF  }
0x98: {  	s19 =	sld [smem:$0x3FDB];
	_ =	sdelay $0x1  }
0x99: {  	s4 =	simm.s32 $_scs_section_size  }
0x9a: {  	s5 =	simm.s32 $_size__tile_overlayer_lowered;
	s6 =	simm.s32 $_tile_overlayer_lowered  }
0x9b: {  	s22 =	simm.s32 $0x1BFF;
	s21 =	sshll.u32 s6, $0x1;
	s3 =	sadd.s32 s4, s19  }
0x9c: {  	s7 =	simm.s32 $0x0;
	s20 =	sshll.u32 s5, $0x1;
	s5 =	sadd.s32 s21, s3  }
0x9d: {  	[timem:s7], [sflag:s22] =	dma.local [hbm:s5], s20  }
0x9e: {  	_ =	swait.ge [sflag:s22], s20  }
0x9f: {  	s4 =	ssub.s32 $0x0, s20;
	[sflag:s22] =	ssyncset.done $0x0  }
0xa0: {  	[sflag:s22] =	ssyncadd.s32 s4;
	_ =	sdelay $0x1  }
0xa1: {  	s23 =	simm.s32 $0x1B8B  }
0xa2: {  	_ =	swait.ge [sflag:s23], $0x1  }
0xa3: {  	[sflag:s23] =	ssyncset.done $0x0  }
0xa4: {  	s25 =	simm.s32 $0x1B8E;
	s24 =	sld [smem:$0x3FFE];
	[sflag:s23] =	ssyncadd.s32 $0xFFFFFFFF  }
0xa5: {  	s26 =	simm.s32 $execute0_lowered;
	[smem:$0x3FD2] =	sst s25  }
0xa6: {  	s5 =	sshll.u32 s26, $0x1;
	_ =	strace $0x80000049;
	[dreg:$0x1] =	wrdreg $0xFFFFFFFF  }
0xa7: {  	s28 =	simm.s32 $_size_execute0_lowered;
	s3 =	sadd.s32 s3, s5;
	[dreg:$0x0] =	wrdreg $0x0  }
0xa8: {  	s5 =	sshll.u32 s28, $0x1;
	[dreg:$0x2] =	wrdreg s3  }
0xa9: {  	[dreg:$0x3] =	wrdreg s5  }
0xaa: {  	[dreg:$0x4] =	wrdreg $0xC0  }
0xab: {  	_ =	task [dreg:s7], $0x5FFFF  }
0xac: {  	[dreg:$0x1] =	wrdreg $0xFFFFFFFF  }
0xad: {  	[dreg:$0x0] =	wrdreg $0x60  }
0xae: {  	[dreg:$0x2] =	wrdreg s24  }
0xaf: {  	[dreg:$0x3] =	wrdreg s2  }
0xb0: {  	[dreg:$0x4] =	wrdreg $0x9  }
0xb1: {  	_ =	task.clear_ibuf [dreg:s7], $0x5FFFF;
	_ =	strace $0x90000049  }
0xb2: {  	s29 =	simm.s32 $0x9;
	_ =	strace $0x8000004B  }
0xb3: {  	_ =	swait.ge [sflag:s29], $0x1  }
0xb4: {  	[sflag:s29] =	ssyncadd.s32 $0xFFFFFFFF  }
0xb5: {  	_ =	strace $0x9000004B  }
0xb6: {  	_ =	sfence  }
0xb7: {  	s30 =	sld [smem:$0x0];
	_ =	sdelay $0x2  }
0xb8: {  	s31 =	sshll.u32 s1, $0xD;
	s1 =	sshrl.u32 s1, $0x2  }
0xb9: {  	s3 =	sand.u32 $0x4000, s31;
	s1 =	sadd.s32 s1, s30  }
0xba: {  	s0 =	sor.u32 s3, s0;
	s1 =	sshll.u32 s1, $0x11  }
0xbb: {  	s0 =	sor.u32 s1, s0  }
0xbc: {  	s0 =	sadd.s32 $0x8F2B, s0  }
0xbd: {  	[sflag:s0] =	ssyncadd.remote.s32 $0x1  }
0xbe: {  	_ =	sfence.sel $0xFFFF  }
0xbf: {  	[dreg:$0x0] =	wrdreg $0xFFFFFFFF;
	(pc) =	sbr.abs _section_cstart, $3  }
0xc0: {  	[dreg:$0x1] =	wrdreg $0xFFFFFFFF  }
0xc1: {  	_ =	task.clear_ibuf [dreg:s7], $0x2FFFF;
	_ =	strace $0x9FFFFFFF  }
0xc2: {  	(tm) =	ssettm $0x7FFFFFFF  }
0xc3: {  	_ =	shalt  }
tec
execute0_lowered:
.L_overlay_start_1:
0x0: {  	(tag) =	ssettag $0x1  }
0x1: {  	s0 =	rddreg [dreg:$0x0]  }
0x2: {  	s5 =	rddreg [dreg:$0x1];
	s3 =	srdreg.scid  }
0x3: {  	s2 =	simm.s32 $0x0;
	s1 =	stileid.u32;
	s26 =	simm.s32 $0x880  }
0x4: {  	s10 =	simm.s32 $0x1880;
	s11 =	simm.s32 $0x2080;
	s12 =	simm.s32 $0x2880  }
0x5: {  	s13 =	simm.s32 $0x3080;
	s14 =	simm.s32 $0x3880;
	s15 =	simm.s32 $0x4080  }
0x6: {  	s16 =	simm.s32 $0x4880;
	s17 =	simm.s32 $0x5080;
	s18 =	simm.s32 $0x5880  }
0x7: {  	s19 =	simm.s32 $0x6080;
	s20 =	simm.s32 $0x6880;
	s21 =	simm.s32 $0x7080  }
0x8: {  	s22 =	simm.s32 $0x7880;
	s28 =	simm.s32 $0xA080;
	s29 =	simm.s32 $0xA880  }
0x9: {  	s30 =	simm.s32 $0xB080;
	s31 =	simm.s32 $0xB880;
	s3 =	sand.u32 $0x1, s3  }
0xa: {  	[smem:$0x7FF] =	sst s2;
	s4 =	sshll.u32 s1, $0x4;
	s6 =	sshll.u32 s3, $0x3  }
0xb: {  	_ =	strace $0x8000004A;
	s23 =	ssub.s32 $0x2, s3;
	s3 =	sadd.s32 $0x91E00, s0  }
0xc: {  	[dreg:$0x5] =	wrdreg s26;
	s26 =	simm.s32 $0x9880;
	s4 =	sor.u32 s6, s4  }
0xd: {  	s8 =	sshrl.u32 s23, $0x1;
	s7 =	sadd.s32 s4, s0;
	s9 =	smul.u32 $0x300, s4  }
0xe: {  	s6 =	ssub.s32 s23, s8;
	s4 =	sadd.s32 $0x91F00, s0;
	s8 =	simm.s32 $0x80  }
0xf: {  	s23 =	simm.s32 $0x8080;
	s24 =	sadd.s32 $0x1C00, s7;
	s6 =	smax.u32 s6, $0x1  }
0x10: {  	v2 =	vlaneseq.u32;
	s7 =	simm.s32 $0x2;
	[dreg:$0x3] =	wrdreg s24;
	s25 =	sadd.s32 s5, s9  }
0x11: {  	vm0 =	vmmov $0xffff;
	v1 =	vshrl.u32 v2, $0x3;
	s5 =	sadd.s32 $0x92000, s0;
	s9 =	simm.s32 $0x1080;
	s24 =	simm.s32 $0x8880  }
0x12: {  	v0 =	vand.u32 $0x7, v2;
	v2 =	vor.u32 $0x8, v2;
	v1 =	vmul.u32 $0x8, v1;
	s0 =	simm.s32 $0x1;
	[dreg:$0x4] =	wrdreg s25;
	s25 =	simm.s32 $0x9080  }
.LBB2_1:
0x13: {  	s1 =	rddreg [dreg:$0x3]  }
0x14: {  	[tilespmem:s2], [sflag:$0x2] =	stream.linear.gather [hbm4b:s1+s2], $0x40, $0x38;
	[tilespmem:$0xC080] =	vst v63  }
0x15: {  	_ =	swait.ge [sflag:s7], $0x40  }
0x16: {  	[sflag:s7] =	ssyncset.done $0x0  }
0x17: {  	[sflag:s7] =	ssyncadd.s32 $0xFFFFFFC0  }
0x18: {  	v3 =	vld [tilespmem:$0x0];
	_ =	sdelay $0x4  }
0x19: {  	v4 =	vshrl.u32 v3, $0x3  }
0x1a: {  	v4 =	vmul.u32 $0x30, v4  }
0x1b: {  	v3 =	vand.u32 $0x7, v3  }
0x1c: {  	v3 =	vor.u32 v3, v4  }
0x1d: {  	v4 =	vperm.xlane v3, v0;
	_ =	sdelay $0x1  }
0x1e: {  	v4 =	vadd.s32 v1, v4;
	_ =	sdelay $0x3  }
0x1f: {  	v3 =	vperm.xlane v3, v2  }
0x20: {  	[tilespmem:s8], [sflag:$0x1] =	stream.indirect_vreg.gather [hbm4b:s3+s2], $0x80, v4, vm0, $0xb8;
	[tilespmem:$0xC080] =	vst v63  }
0x21: {  	s1 =	rddreg [dreg:$0x5];
	v3 =	vadd.s32 v1, v3  }
0x22: {  	[tilespmem:s1], [sflag:$0x1] =	stream.indirect_vreg.gather [hbm4b:s4+s2], $0x80, v4, vm0, $0xb8;
	[tilespmem:$0xC080] =	vst v63  }
0x23: {  	_ = 	snop  }
0x24: {  	[tilespmem:s9], [sflag:$0x1] =	stream.indirect_vreg.gather [hbm4b:s5+s2], $0x80, v4, vm0, $0xb8;
	[tilespmem:$0xC080] =	vst v63  }
0x25: {  	_ = 	snop  }
0x26: {  	[tilespmem:s10], [sflag:$0x1] =	stream.indirect_vreg.gather [hbm4b:s3+s2], $0x80, v3, vm0, $0xb8;
	[tilespmem:$0xC080] =	vst v63  }
0x27: {  	_ = 	snop  }
0x28: {  	[tilespmem:s11], [sflag:$0x1] =	stream.indirect_vreg.gather [hbm4b:s4+s2], $0x80, v3, vm0, $0xb8;
	[tilespmem:$0xC080] =	vst v63  }
0x29: {  	_ = 	snop  }
0x2a: {  	[tilespmem:s12], [sflag:$0x1] =	stream.indirect_vreg.gather [hbm4b:s5+s2], $0x80, v3, vm0, $0xb8;
	[tilespmem:$0xC080] =	vst v63  }
0x2b: {  	v3 =	vld [tilespmem:$0x10];
	_ =	sdelay $0x4  }
0x2c: {  	v61 =	vshrl.u32 v3, $0x3  }
0x2d: {  	v4 =	vmul.u32 $0x30, v61  }
0x2e: {  	v3 =	vand.u32 $0x7, v3  }
0x2f: {  	v3 =	vor.u32 v3, v4  }
0x30: {  	v4 =	vperm.xlane v3, v0;
	_ =	sdelay $0x1  }
0x31: {  	v4 =	vadd.s32 v1, v4;
	_ =	sdelay $0x3  }
0x32: {  	v3 =	vperm.xlane v3, v2  }
0x33: {  	[tilespmem:s13], [sflag:$0x1] =	stream.indirect_vreg.gather [hbm4b:s3+s2], $0x80, v4, vm0, $0xb8;
	[tilespmem:$0xC080] =	vst v63  }
0x34: {  	v3 =	vadd.s32 v1, v3  }
0x35: {  	[tilespmem:s14], [sflag:$0x1] =	stream.indirect_vreg.gather [hbm4b:s4+s2], $0x80, v4, vm0, $0xb8;
	[tilespmem:$0xC080] =	vst v63  }
0x36: {  	_ = 	snop  }
0x37: {  	[tilespmem:s15], [sflag:$0x1] =	stream.indirect_vreg.gather [hbm4b:s5+s2], $0x80, v4, vm0, $0xb8;
	[tilespmem:$0xC080] =	vst v63  }
0x38: {  	_ = 	snop  }
0x39: {  	[tilespmem:s16], [sflag:$0x1] =	stream.indirect_vreg.gather [hbm4b:s3+s2], $0x80, v3, vm0, $0xb8;
	[tilespmem:$0xC080] =	vst v63  }
0x3a: {  	_ = 	snop  }
0x3b: {  	[tilespmem:s17], [sflag:$0x1] =	stream.indirect_vreg.gather [hbm4b:s4+s2], $0x80, v3, vm0, $0xb8;
	[tilespmem:$0xC080] =	vst v63  }
0x3c: {  	_ = 	snop  }
0x3d: {  	[tilespmem:s18], [sflag:$0x1] =	stream.indirect_vreg.gather [hbm4b:s5+s2], $0x80, v3, vm0, $0xb8;
	[tilespmem:$0xC080] =	vst v63  }
0x3e: {  	v3 =	vld [tilespmem:$0x20];
	_ =	sdelay $0x4  }
0x3f: {  	v62 =	vshrl.u32 v3, $0x3  }
0x40: {  	v4 =	vmul.u32 $0x30, v62  }
0x41: {  	v3 =	vand.u32 $0x7, v3  }
0x42: {  	v3 =	vor.u32 v3, v4  }
0x43: {  	v4 =	vperm.xlane v3, v0;
	_ =	sdelay $0x1  }
0x44: {  	v4 =	vadd.s32 v1, v4;
	_ =	sdelay $0x3  }
0x45: {  	v3 =	vperm.xlane v3, v2  }
0x46: {  	[tilespmem:s19], [sflag:$0x1] =	stream.indirect_vreg.gather [hbm4b:s3+s2], $0x80, v4, vm0, $0xb8;
	[tilespmem:$0xC080] =	vst v63  }
0x47: {  	v3 =	vadd.s32 v1, v3  }
0x48: {  	[tilespmem:s20], [sflag:$0x1] =	stream.indirect_vreg.gather [hbm4b:s4+s2], $0x80, v4, vm0, $0xb8;
	[tilespmem:$0xC080] =	vst v63  }
0x49: {  	_ = 	snop  }
0x4a: {  	[tilespmem:s21], [sflag:$0x1] =	stream.indirect_vreg.gather [hbm4b:s5+s2], $0x80, v4, vm0, $0xb8;
	[tilespmem:$0xC080] =	vst v63  }
0x4b: {  	_ = 	snop  }
0x4c: {  	[tilespmem:s22], [sflag:$0x1] =	stream.indirect_vreg.gather [hbm4b:s3+s2], $0x80, v3, vm0, $0xb8;
	[tilespmem:$0xC080] =	vst v63  }
0x4d: {  	_ = 	snop  }
0x4e: {  	[tilespmem:s23], [sflag:$0x1] =	stream.indirect_vreg.gather [hbm4b:s4+s2], $0x80, v3, vm0, $0xb8;
	[tilespmem:$0xC080] =	vst v63  }
0x4f: {  	_ = 	snop  }
0x50: {  	[tilespmem:s24], [sflag:$0x1] =	stream.indirect_vreg.gather [hbm4b:s5+s2], $0x80, v3, vm0, $0xb8;
	[tilespmem:$0xC080] =	vst v63  }
0x51: {  	v3 =	vld [tilespmem:$0x30];
	_ =	sdelay $0x4  }
0x52: {  	v63 =	vshrl.u32 v3, $0x3  }
0x53: {  	v4 =	vmul.u32 $0x30, v63  }
0x54: {  	v3 =	vand.u32 $0x7, v3  }
0x55: {  	v3 =	vor.u32 v3, v4  }
0x56: {  	v4 =	vperm.xlane v3, v0;
	_ =	sdelay $0x1  }
0x57: {  	v4 =	vadd.s32 v1, v4;
	_ =	sdelay $0x3  }
0x58: {  	v3 =	vperm.xlane v3, v2  }
0x59: {  	[tilespmem:s25], [sflag:$0x1] =	stream.indirect_vreg.gather [hbm4b:s3+s2], $0x80, v4, vm0, $0xb8;
	[tilespmem:$0xC080] =	vst v63  }
0x5a: {  	v3 =	vadd.s32 v1, v3  }
0x5b: {  	[tilespmem:s26], [sflag:$0x1] =	stream.indirect_vreg.gather [hbm4b:s4+s2], $0x80, v4, vm0, $0xb8;
	[tilespmem:$0xC080] =	vst v63  }
0x5c: {  	_ = 	snop  }
0x5d: {  	[tilespmem:s28], [sflag:$0x1] =	stream.indirect_vreg.gather [hbm4b:s5+s2], $0x80, v4, vm0, $0xb8;
	[tilespmem:$0xC080] =	vst v63  }
0x5e: {  	_ = 	snop  }
0x5f: {  	[tilespmem:s29], [sflag:$0x1] =	stream.indirect_vreg.gather [hbm4b:s3+s2], $0x80, v3, vm0, $0xb8;
	[tilespmem:$0xC080] =	vst v63  }
0x60: {  	_ = 	snop  }
0x61: {  	[tilespmem:s30], [sflag:$0x1] =	stream.indirect_vreg.gather [hbm4b:s4+s2], $0x80, v3, vm0, $0xb8;
	[tilespmem:$0xC080] =	vst v63  }
0x62: {  	_ = 	snop  }
0x63: {  	[tilespmem:s31], [sflag:$0x1] =	stream.indirect_vreg.gather [hbm4b:s5+s2], $0x80, v3, vm0, $0xb8;
	[tilespmem:$0xC080] =	vst v63  }
0x64: {  	_ =	swait.ge [sflag:s0], $0xC000  }
0x65: {  	p0 =	sne.s32 s6, $0x1;
	[sflag:s0] =	ssyncset.done $0x0  }
.Ltmp0:
0x66: {  	s1 =	rddreg [dreg:$0x4];
	[sflag:s0] =	ssyncadd.s32 $0xFFFF4000;
	(pc) =	sbr.rel @p0 .LBB2_1-.Ltmp0, $4  }
0x67: {  	[hbm4b:s1+s2] =	stream.linear.scatter [tilespmem:s8], [sflag:$0x2], $0xC000, $0x38;
	[tilespmem:$0xC080] =	vst v63  }
0x68: {  	_ =	swait.ge [sflag:s7], $0xC000  }
0x69: {  	[sflag:s7] =	ssyncset.done $0x0  }
0x6a: {  	s6 =	sadd.s32 $0xFFFFFFFF, s6;
	[sflag:s7] =	ssyncadd.s32 $0xFFFF4000  }
0x6b: {  	_ =	sfence.sel $0x180000  }
0x6c: {  	[bflag:$0x0] =	sbarrier.arrive $0xFFFF  }
0x6d: {  	_ =	strace $0x9000004A  }
0x6e: {  	s0 =	stileid.u32;
	[bflag:$0x2] =	sbarrier.arrive $0xFFFF  }
0x6f: {  	p0 =	sne.s32 s0, $0x0;
	s0 =	rddreg [dreg:$0x2]  }
0x70: {  	s0 =	sadd.s32 @!p0 $0x100000, s0  }
0x71: {  	[sflag:s0] =	ssyncadd.tile.s32 @!p0 $0x1;
	_ =	shalt  }
.Lfunc_end2:
_tile_overlayer_lowered:
.L_overlay_start_2:
0x72: {  	(tag) =	ssettag $0x2  }
0x73: {  	s0 =	rddreg [dreg:$0x0];
	s2 =	stileid.u32  }
0x74: {  	s1 =	rddreg [dreg:$0x1];
	p0 =	sne.s32 s2, $0x0  }
0x75: {  	s3 =	rddreg [dreg:$0x2];
	[bflag:$0x3] =	sbarrier.arrive $0xFFFF;
	s2 =	simm.s32 @!p0 $0x1C02  }
0x76: {  	[timem:s3], [sflag:s2] =	dma.local @!p0 [hbm:s0], s1  }
0x77: {  	s0 =	simm.s32 @!p0 $0x2  }
0x78: {  	_ =	swait.ge @!p0 [sflag:s0], s1  }
0x79: {  	s1 =	ssub.s32 @!p0 $0x0, s1;
	[sflag:s0] =	ssyncset.done @!p0 $0x0  }
0x7a: {  	[sflag:s0] =	ssyncadd.s32 @!p0 s1  }
0x7b: {  	[bflag:$0x3] =	sbarrier.arrive $0xFFFF  }
0x7c: {  	_ =	shalt  }

</sc_bundles>
